<compile_context>
chip_gen: v7x
topology: tpu7x:2x2x1
jax: 0.10.2.dev20260603
libtpu: 0.0.44.dev20260713+nightly
codegen_flags: <defaults>
</compile_context>

<pallas_src>
import functools

import jax
import jax.numpy as jnp
from jax import lax
from jax.experimental import pallas as pl
from jax.experimental.pallas import tpu as pltpu
from jax.experimental.pallas import tpu_sc as plsc

VOCAB_SIZE = 100000
EMBED_DIM = 64
BATCH_SIZE = 16384
N_SAMPLED = 64

_INFO = plsc.get_sparse_core_info()
NUM_CORES = _INFO.num_cores
NUM_SUBCORES = _INFO.num_subcores
NUM_WORKERS = NUM_CORES * NUM_SUBCORES
ROWS_PER_W = EMBED_DIM // NUM_WORKERS

N_BIAS_W = 4
QB = BATCH_SIZE // N_BIAS_W

NB = 8
BLK = BATCH_SIZE // NB


def _sc_gather(emb_t, ncew_t, nceb, inputs_f, labels_f, labels_i,
               sampled_ids):
    mesh = plsc.VectorSubcoreMesh(core_axis_name="c", subcore_axis_name="s")

    @functools.partial(
        pl.kernel,
        mesh=mesh,
        compiler_params=pltpu.CompilerParams(
            use_tc_tiling_on_sc=True, needs_layout_passes=False),
        out_type=[
            jax.ShapeDtypeStruct((EMBED_DIM, BATCH_SIZE), jnp.float32),
            jax.ShapeDtypeStruct((EMBED_DIM, BATCH_SIZE), jnp.float32),
            jax.ShapeDtypeStruct((BATCH_SIZE,), jnp.float32),
            jax.ShapeDtypeStruct((EMBED_DIM, N_SAMPLED), jnp.float32),
            jax.ShapeDtypeStruct((N_SAMPLED,), jnp.float32),
        ],
        scratch_types=[
            pltpu.VMEM((VOCAB_SIZE,), jnp.float32),
            pltpu.VMEM((BATCH_SIZE,), jnp.float32),
            pltpu.VMEM((QB,), jnp.int32),
            pltpu.VMEM((QB,), jnp.float32),
            pltpu.VMEM((N_SAMPLED,), jnp.int32),
            pltpu.VMEM((ROWS_PER_W, N_SAMPLED), jnp.float32),
            pltpu.VMEM((N_SAMPLED,), jnp.float32),
            pltpu.SemaphoreType.DMA,
            pltpu.SemaphoreType.DMA,
            pltpu.SemaphoreType.DMA,
            pltpu.SemaphoreType.DMA,
        ],
    )
    def sc_kernel(emb_hbm, ncew_hbm, nceb_hbm, iidx_hbm, lidx_hbm,
                  lidxi_hbm, sid_hbm,
                  embt_out, truewt_out, trueb_out, swt_out, sb_out,
                  row_v, io_v, bidx_v, bval_v, sid_v, sg_v, sb_v,
                  sem_row, sem_io, sem_out, sem_bias):
        wid = lax.axis_index("s") * NUM_CORES + lax.axis_index("c")

        pltpu.sync_copy(sid_hbm, sid_v)

        bias_cp = [None]
        for q in range(N_BIAS_W):
            @pl.when(wid == q)
            def _(q=q):
                pltpu.sync_copy(lidxi_hbm.at[pl.ds(q * QB, QB)], bidx_v)
                bias_cp[0] = pltpu.async_copy(
                    nceb_hbm.at[bidx_v], bval_v, sem_bias)

        @pl.when(wid == N_BIAS_W)
        def _():
            bias_cp[0] = pltpu.async_copy(
                nceb_hbm.at[sid_v], sb_v, sem_bias)

        def gather_inplace(ib, nvec):
            def body(j, carry):
                o = pl.multiple_of(j * 16, 16)
                iv = lax.bitcast_convert_type(ib[pl.ds(o, 16)], jnp.int32)
                ib[pl.ds(o, 16)] = plsc.load_gather(row_v, [iv])
                return carry
            lax.fori_loop(0, nvec, body, 0, unroll=16)

        def sampled_gather(dst):
            for g in range(N_SAMPLED // 16):
                dst[pl.ds(g * 16, 16)] = plsc.load_gather(
                    row_v, [sid_v[pl.ds(g * 16, 16)]])

        tasks = (
            [(emb_hbm, iidx_hbm, embt_out, False)] * ROWS_PER_W
            + [(ncew_hbm, lidx_hbm, truewt_out, True)] * ROWS_PER_W
        )

        row_cp = pltpu.async_copy(
            emb_hbm.at[wid * ROWS_PER_W], row_v, sem_row)
        pend_out = None
        for t, (tbl, idxh, outh, is_nce) in enumerate(tasks):
            d = wid * ROWS_PER_W + (t % ROWS_PER_W)
            if pend_out is not None:
                pend_out.wait()
            pltpu.async_copy(idxh, io_v, sem_io).wait()
            row_cp.wait()
            gather_inplace(io_v, BATCH_SIZE // 16)
            if is_nce:
                sampled_gather(sg_v.at[t - ROWS_PER_W])
            if t + 1 < len(tasks):
                nxt = tasks[t + 1]
                dn = wid * ROWS_PER_W + ((t + 1) % ROWS_PER_W)
                row_cp = pltpu.async_copy(nxt[0].at[dn], row_v, sem_row)
            pend_out = pltpu.async_copy(io_v, outh.at[d], sem_out)
        pend_out.wait()
        pltpu.sync_copy(sg_v, swt_out.at[pl.ds(wid * ROWS_PER_W, ROWS_PER_W)])

        for q in range(N_BIAS_W):
            @pl.when(wid == q)
            def _(q=q):
                bias_cp[0].wait()
                pltpu.sync_copy(bval_v, trueb_out.at[pl.ds(q * QB, QB)])

        @pl.when(wid == N_BIAS_W)
        def _():
            bias_cp[0].wait()
            pltpu.sync_copy(sb_v, sb_out)

    return sc_kernel(emb_t, ncew_t, nceb, inputs_f, labels_f, labels_i,
                     sampled_ids)


def _logq(ids_f):
    p = (jnp.log(ids_f + 2.0) - jnp.log(ids_f + 1.0)) / jnp.log(
        jnp.float32(VOCAB_SIZE + 1.0))
    return jnp.log(jnp.float32(N_SAMPLED) * p)


def _softplus(x):
    return jnp.maximum(x, 0.0) + jnp.log(1.0 + jnp.exp(-jnp.abs(x)))


def _tc_loss_body(embt_ref, twt_ref, tb_ref, lab_ref, swt_ref, sb_ref,
                  sid_ref, out_ref):
    i = pl.program_id(0)
    emb = embt_ref[...]
    tw = twt_ref[...]
    tb = tb_ref[0, 0, :]
    lab_f = lab_ref[0, 0, :].astype(jnp.float32)
    true_logits = jnp.sum(emb * tw, axis=0) + tb - _logq(lab_f)
    swt = swt_ref[...]
    sb = sb_ref[0, :]
    sid_f = sid_ref[0, :].astype(jnp.float32)
    slog = lax.dot_general(swt, emb, (((0,), (0,)), ((), ())),
                           preferred_element_type=jnp.float32)
    slog = slog + (sb - _logq(sid_f))[:, None]
    blk_sum = jnp.sum(_softplus(-true_logits)) + jnp.sum(_softplus(slog))

    @pl.when(i == 0)
    def _():
        out_ref[0, 0] = 0.0

    out_ref[0, 0] += blk_sum

    @pl.when(i == NB - 1)
    def _():
        out_ref[0, 0] = out_ref[0, 0] / jnp.float32(BATCH_SIZE)


def _tc_loss(embt, truewt, trueb, labels, swt, sb, sampled_ids):
    return pl.pallas_call(
        _tc_loss_body,
        grid=(NB,),
        in_specs=[
            pl.BlockSpec((EMBED_DIM, BLK), lambda i: (0, i)),
            pl.BlockSpec((EMBED_DIM, BLK), lambda i: (0, i)),
            pl.BlockSpec((1, 1, BLK), lambda i: (i, 0, 0)),
            pl.BlockSpec((1, 1, BLK), lambda i: (i, 0, 0)),
            pl.BlockSpec((EMBED_DIM, N_SAMPLED), lambda i: (0, 0)),
            pl.BlockSpec((1, N_SAMPLED), lambda i: (0, 0)),
            pl.BlockSpec((1, N_SAMPLED), lambda i: (0, 0)),
        ],
        out_specs=pl.BlockSpec(memory_space=pltpu.SMEM),
        out_shape=jax.ShapeDtypeStruct((1, 1), jnp.float32),
    )(embt, truewt, trueb.reshape(NB, 1, BLK), labels.reshape(NB, 1, BLK),
      swt, sb.reshape(1, N_SAMPLED), sampled_ids.reshape(1, N_SAMPLED))


def kernel(inputs, train_labels, sampled_ids, embeddings, nce_weights,
           nce_biases):
    labels = train_labels[:, 0]
    inputs_f = lax.bitcast_convert_type(inputs, jnp.float32)
    labels_f = lax.bitcast_convert_type(labels, jnp.float32)
    embt, truewt, trueb, swt, sb = _sc_gather(
        embeddings.T, nce_weights.T, nce_biases, inputs_f, labels_f,
        labels, sampled_ids)
    cost = _tc_loss(embt, truewt, trueb, labels, swt, sb, sampled_ids)
    return embt.T, cost.reshape(())

# --- scband reference (transcript-rebuilt; emitter-appended) ---
"""Pipeline reference for scband-word2vec-embedding-inputlayer-45311904973365 (READ-ONLY COPY).

The authoritative reference and input builder live on the scoring server;
editing this copy changes nothing except your own understanding.
"""

import jax, jax.numpy as jnp
import numpy as np

VOCAB = 100000
EMBED = 64
BATCH = 16384
NUM_SAMPLED = 64


def setup_inputs(seed: int = 0):
    key = jax.random.key(seed)
    k1, k2, k3, k4, k5 = jax.random.split(key, 5)
    inputs = jax.random.randint(k1, (BATCH,), 0, VOCAB, dtype=jnp.int32)
    train_labels = jax.random.randint(k2, (BATCH, 1), 0, VOCAB, dtype=jnp.int32)
    sampled_ids = jax.random.randint(k3, (NUM_SAMPLED,), 0, VOCAB, dtype=jnp.int32)
    embeddings = jax.random.uniform(k4, (VOCAB, EMBED), minval=-1.0, maxval=1.0, dtype=jnp.float32)
    nce_weights = jax.random.truncated_normal(k5, -2.0, 2.0, (VOCAB, EMBED), dtype=jnp.float32) * 0.03
    nce_biases = jnp.zeros((VOCAB,), dtype=jnp.float32)
    return {"inputs": inputs, "train_labels": train_labels, "sampled_ids": sampled_ids,
            "embeddings": embeddings, "nce_weights": nce_weights, "nce_biases": nce_biases}


def _log_expected_count(ids):
    # TF log-uniform (Zipfian) candidate sampler probabilities:
    # p(c) = (log(c+2) - log(c+1)) / log(range_max + 1)
    ids_f = ids.astype(jnp.float32)
    p = (jnp.log(ids_f + 2.0) - jnp.log(ids_f + 1.0)) / jnp.log(float(VOCAB) + 1.0)
    return jnp.log(jnp.float32(NUM_SAMPLED) * p)


def reference(inputs, train_labels, sampled_ids, embeddings, nce_weights, nce_biases):
    # embedding lookup -> layer outputs
    embed = jnp.take(embeddings, inputs, axis=0)  # [B, D]
    labels = train_labels[:, 0]
    # NCE loss (num_true=1, subtract_log_q=True)
    true_w = jnp.take(nce_weights, labels, axis=0)          # [B, D]
    true_b = jnp.take(nce_biases, labels, axis=0)           # [B]
    true_logits = jnp.sum(embed * true_w, axis=1) + true_b - _log_expected_count(labels)
    sampled_w = jnp.take(nce_weights, sampled_ids, axis=0)  # [S, D]
    sampled_b = jnp.take(nce_biases, sampled_ids, axis=0)   # [S]
    sampled_logits = embed @ sampled_w.T + sampled_b[None, :] - _log_expected_count(sampled_ids)[None, :]
    # sigmoid cross entropy: label 1 for true logit, 0 for sampled logits
    per_example = jax.nn.softplus(-true_logits) + jnp.sum(jax.nn.softplus(sampled_logits), axis=1)
    nce_cost = jnp.mean(per_example)
    return embed, nce_cost

if __name__ == "__main__":
    import jax
    _d = setup_inputs()
    print(jax.jit(kernel)(*tuple(_d.values())))

</pallas_src>

<mosaic_0001>
#map = affine_map<(d0, d1) -> (0, 0)>
#map1 = affine_map<(d0, d1) -> (0)>
module attributes {stable_mosaic.version = 14 : i64} {
  func.func @sc_kernel(%arg0: i32, %arg1: i32, %arg2: memref<64x100000xf32, #tpu.memory_space<hbm>>, %arg3: memref<64x100000xf32, #tpu.memory_space<hbm>>, %arg4: memref<100000xf32, #tpu.memory_space<hbm>>, %arg5: memref<16384xf32, #tpu.memory_space<hbm>>, %arg6: memref<16384xf32, #tpu.memory_space<hbm>>, %arg7: memref<16384xi32, #tpu.memory_space<hbm>>, %arg8: memref<64xi32, #tpu.memory_space<hbm>>, %arg9: memref<64x16384xf32, #tpu.memory_space<hbm>>, %arg10: memref<64x16384xf32, #tpu.memory_space<hbm>>, %arg11: memref<16384xf32, #tpu.memory_space<hbm>>, %arg12: memref<64x64xf32, #tpu.memory_space<hbm>>, %arg13: memref<64xf32, #tpu.memory_space<hbm>>, %arg14: memref<100000xf32, #tpu.memory_space<vmem>>, %arg15: memref<16384xf32, #tpu.memory_space<vmem>>, %arg16: memref<4096xi32, #tpu.memory_space<vmem>>, %arg17: memref<4096xf32, #tpu.memory_space<vmem>>, %arg18: memref<64xi32, #tpu.memory_space<vmem>>, %arg19: memref<2x64xf32, #tpu.memory_space<vmem>>, %arg20: memref<64xf32, #tpu.memory_space<vmem>>, %arg21: memref<!tpu.dma_semaphore, #tpu.memory_space<semaphore_mem>>, %arg22: memref<!tpu.dma_semaphore, #tpu.memory_space<semaphore_mem>>, %arg23: memref<!tpu.dma_semaphore, #tpu.memory_space<semaphore_mem>>, %arg24: memref<!tpu.dma_semaphore, #tpu.memory_space<semaphore_mem>>) attributes {dimension_semantics = [#tpu.dimension_semantics<core_parallel>, #tpu.dimension_semantics<subcore_parallel>], iteration_bounds = array<i64: 2, 16>, scalar_prefetch = 0 : i64, scratch_operands = 11 : i64, tpu.core_type = #tpu.core_type<sc_vector_subcore>, window_params = [{transform_indices = #map}, {transform_indices = #map}, {transform_indices = #map1}, {transform_indices = #map1}, {transform_indices = #map1}, {transform_indices = #map1}, {transform_indices = #map1}, {transform_indices = #map}, {transform_indices = #map}, {transform_indices = #map1}, {transform_indices = #map}, {transform_indices = #map1}]} {
    %mul3A = arith.constant 2 : i32
    %mul3A_0 = arith.muli %arg1, %mul3A : i32
    %add3A = arith.addi %mul3A_0, %arg0 : i32
    "tpu.region"() ({
      %run_scoped3A = tpu.sem_alloc : memref<!tpu.dma_semaphore, #tpu.memory_space<semaphore_mem>>
      tpu.enqueue_dma source(%arg8 : memref<64xi32, #tpu.memory_space<hbm>>) target(%arg18 : memref<64xi32, #tpu.memory_space<vmem>>) target_semaphore(%run_scoped3A : memref<!tpu.dma_semaphore, #tpu.memory_space<semaphore_mem>>)
      tpu.wait_dma2 semaphore(%run_scoped3A : memref<!tpu.dma_semaphore, #tpu.memory_space<semaphore_mem>>) src(%arg8 : memref<64xi32, #tpu.memory_space<hbm>>) dst(%arg18 : memref<64xi32, #tpu.memory_space<vmem>>)
      tpu.yield
    }) : () -> ()
    %eq3A = arith.constant 0 : i32
    %eq3A_1 = arith.cmpi eq, %add3A, %eq3A : i32
    %convert_element_type3A = arith.extui %eq3A_1 : i1 to i32
    %cond3A = arith.constant 0 : i32
    %cond3A_2 = arith.cmpi ne, %convert_element_type3A, %cond3A : i32
    scf.if %cond3A_2 {
      "tpu.region"() ({
        %run_scoped3A = tpu.sem_alloc : memref<!tpu.dma_semaphore, #tpu.memory_space<semaphore_mem>>
        %dma_start3A_268 = arith.constant 0 : i32
        %dma_start3A_269 = tpu.memref_slice %arg7[%dma_start3A_268] : memref<16384xi32, #tpu.memory_space<hbm>> -> memref<4096xi32, #tpu.memory_space<hbm>>
        %dma_start3A_270 = arith.constant 0 : i32
        %dma_start3A_271 = tpu.memref_slice %arg7[%dma_start3A_270] : memref<16384xi32, #tpu.memory_space<hbm>> -> memref<4096xi32, #tpu.memory_space<hbm>>
        tpu.enqueue_dma source(%dma_start3A_271 : memref<4096xi32, #tpu.memory_space<hbm>>) target(%arg16 : memref<4096xi32, #tpu.memory_space<vmem>>) target_semaphore(%run_scoped3A : memref<!tpu.dma_semaphore, #tpu.memory_space<semaphore_mem>>)
        %dma_wait3A_272 = arith.constant 0 : i32
        %dma_wait3A_273 = tpu.memref_slice %arg7[%dma_wait3A_272] : memref<16384xi32, #tpu.memory_space<hbm>> -> memref<4096xi32, #tpu.memory_space<hbm>>
        %dma_wait3A_274 = arith.constant 0 : i32
        %dma_wait3A_275 = tpu.memref_slice %arg7[%dma_wait3A_274] : memref<16384xi32, #tpu.memory_space<hbm>> -> memref<4096xi32, #tpu.memory_space<hbm>>
        tpu.wait_dma2 semaphore(%run_scoped3A : memref<!tpu.dma_semaphore, #tpu.memory_space<semaphore_mem>>) src(%dma_wait3A_275 : memref<4096xi32, #tpu.memory_space<hbm>>) dst(%arg16 : memref<4096xi32, #tpu.memory_space<vmem>>)
        tpu.yield
      }) : () -> ()
      %dma_start3A_266 = arith.constant 0 : i32
      %dma_start3A_267 = tpu.memref_slice %arg4[%dma_start3A_266] : memref<100000xf32, #tpu.memory_space<hbm>> -> memref<100000xf32, #tpu.memory_space<hbm>>
      tpu.enqueue_indirect_dma source(%dma_start3A_267 : memref<100000xf32, #tpu.memory_space<hbm>>) target(%arg17 : memref<4096xf32, #tpu.memory_space<vmem>>) offsets(%arg16 : memref<4096xi32, #tpu.memory_space<vmem>>) semaphore(%arg24 : memref<!tpu.dma_semaphore, #tpu.memory_space<semaphore_mem>>)
    } else {
    }
    %eq3A_3 = arith.constant 1 : i32
    %eq3A_4 = arith.cmpi eq, %add3A, %eq3A_3 : i32
    %convert_element_type3A_5 = arith.extui %eq3A_4 : i1 to i32
    %cond3A_6 = arith.constant 0 : i32
    %cond3A_7 = arith.cmpi ne, %convert_element_type3A_5, %cond3A_6 : i32
    scf.if %cond3A_7 {
      "tpu.region"() ({
        %run_scoped3A = tpu.sem_alloc : memref<!tpu.dma_semaphore, #tpu.memory_space<semaphore_mem>>
        %dma_start3A_268 = arith.constant 4096 : i32
        %dma_start3A_269 = tpu.memref_slice %arg7[%dma_start3A_268] : memref<16384xi32, #tpu.memory_space<hbm>> -> memref<4096xi32, #tpu.memory_space<hbm>>
        %dma_start3A_270 = arith.constant 4096 : i32
        %dma_start3A_271 = tpu.memref_slice %arg7[%dma_start3A_270] : memref<16384xi32, #tpu.memory_space<hbm>> -> memref<4096xi32, #tpu.memory_space<hbm>>
        tpu.enqueue_dma source(%dma_start3A_271 : memref<4096xi32, #tpu.memory_space<hbm>>) target(%arg16 : memref<4096xi32, #tpu.memory_space<vmem>>) target_semaphore(%run_scoped3A : memref<!tpu.dma_semaphore, #tpu.memory_space<semaphore_mem>>)
        %dma_wait3A_272 = arith.constant 4096 : i32
        %dma_wait3A_273 = tpu.memref_slice %arg7[%dma_wait3A_272] : memref<16384xi32, #tpu.memory_space<hbm>> -> memref<4096xi32, #tpu.memory_space<hbm>>
        %dma_wait3A_274 = arith.constant 4096 : i32
        %dma_wait3A_275 = tpu.memref_slice %arg7[%dma_wait3A_274] : memref<16384xi32, #tpu.memory_space<hbm>> -> memref<4096xi32, #tpu.memory_space<hbm>>
        tpu.wait_dma2 semaphore(%run_scoped3A : memref<!tpu.dma_semaphore, #tpu.memory_space<semaphore_mem>>) src(%dma_wait3A_275 : memref<4096xi32, #tpu.memory_space<hbm>>) dst(%arg16 : memref<4096xi32, #tpu.memory_space<vmem>>)
        tpu.yield
      }) : () -> ()
      %dma_start3A_266 = arith.constant 0 : i32
      %dma_start3A_267 = tpu.memref_slice %arg4[%dma_start3A_266] : memref<100000xf32, #tpu.memory_space<hbm>> -> memref<100000xf32, #tpu.memory_space<hbm>>
      tpu.enqueue_indirect_dma source(%dma_start3A_267 : memref<100000xf32, #tpu.memory_space<hbm>>) target(%arg17 : memref<4096xf32, #tpu.memory_space<vmem>>) offsets(%arg16 : memref<4096xi32, #tpu.memory_space<vmem>>) semaphore(%arg24 : memref<!tpu.dma_semaphore, #tpu.memory_space<semaphore_mem>>)
    } else {
    }
    %eq3A_8 = arith.constant 2 : i32
    %eq3A_9 = arith.cmpi eq, %add3A, %eq3A_8 : i32
    %convert_element_type3A_10 = arith.extui %eq3A_9 : i1 to i32
    %cond3A_11 = arith.constant 0 : i32
    %cond3A_12 = arith.cmpi ne, %convert_element_type3A_10, %cond3A_11 : i32
    scf.if %cond3A_12 {
      "tpu.region"() ({
        %run_scoped3A = tpu.sem_alloc : memref<!tpu.dma_semaphore, #tpu.memory_space<semaphore_mem>>
        %dma_start3A_268 = arith.constant 8192 : i32
        %dma_start3A_269 = tpu.memref_slice %arg7[%dma_start3A_268] : memref<16384xi32, #tpu.memory_space<hbm>> -> memref<4096xi32, #tpu.memory_space<hbm>>
        %dma_start3A_270 = arith.constant 8192 : i32
        %dma_start3A_271 = tpu.memref_slice %arg7[%dma_start3A_270] : memref<16384xi32, #tpu.memory_space<hbm>> -> memref<4096xi32, #tpu.memory_space<hbm>>
        tpu.enqueue_dma source(%dma_start3A_271 : memref<4096xi32, #tpu.memory_space<hbm>>) target(%arg16 : memref<4096xi32, #tpu.memory_space<vmem>>) target_semaphore(%run_scoped3A : memref<!tpu.dma_semaphore, #tpu.memory_space<semaphore_mem>>)
        %dma_wait3A_272 = arith.constant 8192 : i32
        %dma_wait3A_273 = tpu.memref_slice %arg7[%dma_wait3A_272] : memref<16384xi32, #tpu.memory_space<hbm>> -> memref<4096xi32, #tpu.memory_space<hbm>>
        %dma_wait3A_274 = arith.constant 8192 : i32
        %dma_wait3A_275 = tpu.memref_slice %arg7[%dma_wait3A_274] : memref<16384xi32, #tpu.memory_space<hbm>> -> memref<4096xi32, #tpu.memory_space<hbm>>
        tpu.wait_dma2 semaphore(%run_scoped3A : memref<!tpu.dma_semaphore, #tpu.memory_space<semaphore_mem>>) src(%dma_wait3A_275 : memref<4096xi32, #tpu.memory_space<hbm>>) dst(%arg16 : memref<4096xi32, #tpu.memory_space<vmem>>)
        tpu.yield
      }) : () -> ()
      %dma_start3A_266 = arith.constant 0 : i32
      %dma_start3A_267 = tpu.memref_slice %arg4[%dma_start3A_266] : memref<100000xf32, #tpu.memory_space<hbm>> -> memref<100000xf32, #tpu.memory_space<hbm>>
      tpu.enqueue_indirect_dma source(%dma_start3A_267 : memref<100000xf32, #tpu.memory_space<hbm>>) target(%arg17 : memref<4096xf32, #tpu.memory_space<vmem>>) offsets(%arg16 : memref<4096xi32, #tpu.memory_space<vmem>>) semaphore(%arg24 : memref<!tpu.dma_semaphore, #tpu.memory_space<semaphore_mem>>)
    } else {
    }
    %eq3A_13 = arith.constant 3 : i32
    %eq3A_14 = arith.cmpi eq, %add3A, %eq3A_13 : i32
    %convert_element_type3A_15 = arith.extui %eq3A_14 : i1 to i32
    %cond3A_16 = arith.constant 0 : i32
    %cond3A_17 = arith.cmpi ne, %convert_element_type3A_15, %cond3A_16 : i32
    scf.if %cond3A_17 {
      "tpu.region"() ({
        %run_scoped3A = tpu.sem_alloc : memref<!tpu.dma_semaphore, #tpu.memory_space<semaphore_mem>>
        %dma_start3A_268 = arith.constant 12288 : i32
        %dma_start3A_269 = tpu.memref_slice %arg7[%dma_start3A_268] : memref<16384xi32, #tpu.memory_space<hbm>> -> memref<4096xi32, #tpu.memory_space<hbm>>
        %dma_start3A_270 = arith.constant 12288 : i32
        %dma_start3A_271 = tpu.memref_slice %arg7[%dma_start3A_270] : memref<16384xi32, #tpu.memory_space<hbm>> -> memref<4096xi32, #tpu.memory_space<hbm>>
        tpu.enqueue_dma source(%dma_start3A_271 : memref<4096xi32, #tpu.memory_space<hbm>>) target(%arg16 : memref<4096xi32, #tpu.memory_space<vmem>>) target_semaphore(%run_scoped3A : memref<!tpu.dma_semaphore, #tpu.memory_space<semaphore_mem>>)
        %dma_wait3A_272 = arith.constant 12288 : i32
        %dma_wait3A_273 = tpu.memref_slice %arg7[%dma_wait3A_272] : memref<16384xi32, #tpu.memory_space<hbm>> -> memref<4096xi32, #tpu.memory_space<hbm>>
        %dma_wait3A_274 = arith.constant 12288 : i32
        %dma_wait3A_275 = tpu.memref_slice %arg7[%dma_wait3A_274] : memref<16384xi32, #tpu.memory_space<hbm>> -> memref<4096xi32, #tpu.memory_space<hbm>>
        tpu.wait_dma2 semaphore(%run_scoped3A : memref<!tpu.dma_semaphore, #tpu.memory_space<semaphore_mem>>) src(%dma_wait3A_275 : memref<4096xi32, #tpu.memory_space<hbm>>) dst(%arg16 : memref<4096xi32, #tpu.memory_space<vmem>>)
        tpu.yield
      }) : () -> ()
      %dma_start3A_266 = arith.constant 0 : i32
      %dma_start3A_267 = tpu.memref_slice %arg4[%dma_start3A_266] : memref<100000xf32, #tpu.memory_space<hbm>> -> memref<100000xf32, #tpu.memory_space<hbm>>
      tpu.enqueue_indirect_dma source(%dma_start3A_267 : memref<100000xf32, #tpu.memory_space<hbm>>) target(%arg17 : memref<4096xf32, #tpu.memory_space<vmem>>) offsets(%arg16 : memref<4096xi32, #tpu.memory_space<vmem>>) semaphore(%arg24 : memref<!tpu.dma_semaphore, #tpu.memory_space<semaphore_mem>>)
    } else {
    }
    %eq3A_18 = arith.constant 4 : i32
    %eq3A_19 = arith.cmpi eq, %add3A, %eq3A_18 : i32
    %convert_element_type3A_20 = arith.extui %eq3A_19 : i1 to i32
    %cond3A_21 = arith.constant 0 : i32
    %cond3A_22 = arith.cmpi ne, %convert_element_type3A_20, %cond3A_21 : i32
    scf.if %cond3A_22 {
      %dma_start3A_266 = arith.constant 0 : i32
      %dma_start3A_267 = tpu.memref_slice %arg4[%dma_start3A_266] : memref<100000xf32, #tpu.memory_space<hbm>> -> memref<100000xf32, #tpu.memory_space<hbm>>
      tpu.enqueue_indirect_dma source(%dma_start3A_267 : memref<100000xf32, #tpu.memory_space<hbm>>) target(%arg20 : memref<64xf32, #tpu.memory_space<vmem>>) offsets(%arg18 : memref<64xi32, #tpu.memory_space<vmem>>) semaphore(%arg24 : memref<!tpu.dma_semaphore, #tpu.memory_space<semaphore_mem>>)
    } else {
    }
    %mul3A_23 = arith.constant 2 : i32
    %mul3A_24 = arith.muli %add3A, %mul3A_23 : i32
    %dma_start3A = arith.constant 0 : i32
    %dma_start3A_25 = tpu.memref_slice %arg2[%mul3A_24, %dma_start3A] : memref<64x100000xf32, #tpu.memory_space<hbm>> -> memref<1x100000xf32, #tpu.memory_space<hbm>>
    %dma_start3A_26 = tpu.memref_squeeze %dma_start3A_25 : memref<1x100000xf32, #tpu.memory_space<hbm>> -> memref<100000xf32, #tpu.memory_space<hbm>>
    %dma_start3A_27 = arith.constant 0 : i32
    %dma_start3A_28 = tpu.memref_slice %arg2[%mul3A_24, %dma_start3A_27] : memref<64x100000xf32, #tpu.memory_space<hbm>> -> memref<1x100000xf32, #tpu.memory_space<hbm>>
    %dma_start3A_29 = tpu.memref_squeeze %dma_start3A_28 : memref<1x100000xf32, #tpu.memory_space<hbm>> -> memref<100000xf32, #tpu.memory_space<hbm>>
    tpu.enqueue_dma source(%dma_start3A_29 : memref<100000xf32, #tpu.memory_space<hbm>>) target(%arg14 : memref<100000xf32, #tpu.memory_space<vmem>>) target_semaphore(%arg21 : memref<!tpu.dma_semaphore, #tpu.memory_space<semaphore_mem>>)
    %mul3A_30 = arith.constant 2 : i32
    %mul3A_31 = arith.muli %add3A, %mul3A_30 : i32
    %add3A_32 = arith.constant 0 : i32
    %add3A_33 = arith.addi %mul3A_31, %add3A_32 : i32
    tpu.enqueue_dma source(%arg5 : memref<16384xf32, #tpu.memory_space<hbm>>) target(%arg15 : memref<16384xf32, #tpu.memory_space<vmem>>) target_semaphore(%arg22 : memref<!tpu.dma_semaphore, #tpu.memory_space<semaphore_mem>>)
    tpu.wait_dma2 semaphore(%arg22 : memref<!tpu.dma_semaphore, #tpu.memory_space<semaphore_mem>>) src(%arg5 : memref<16384xf32, #tpu.memory_space<hbm>>) dst(%arg15 : memref<16384xf32, #tpu.memory_space<vmem>>)
    %dma_wait3A = arith.constant 0 : i32
    %dma_wait3A_34 = tpu.memref_slice %arg2[%mul3A_24, %dma_wait3A] : memref<64x100000xf32, #tpu.memory_space<hbm>> -> memref<1x100000xf32, #tpu.memory_space<hbm>>
    %dma_wait3A_35 = tpu.memref_squeeze %dma_wait3A_34 : memref<1x100000xf32, #tpu.memory_space<hbm>> -> memref<100000xf32, #tpu.memory_space<hbm>>
    %dma_wait3A_36 = arith.constant 0 : i32
    %dma_wait3A_37 = tpu.memref_slice %arg2[%mul3A_24, %dma_wait3A_36] : memref<64x100000xf32, #tpu.memory_space<hbm>> -> memref<1x100000xf32, #tpu.memory_space<hbm>>
    %dma_wait3A_38 = tpu.memref_squeeze %dma_wait3A_37 : memref<1x100000xf32, #tpu.memory_space<hbm>> -> memref<100000xf32, #tpu.memory_space<hbm>>
    tpu.wait_dma2 semaphore(%arg21 : memref<!tpu.dma_semaphore, #tpu.memory_space<semaphore_mem>>) src(%dma_wait3A_38 : memref<100000xf32, #tpu.memory_space<hbm>>) dst(%arg14 : memref<100000xf32, #tpu.memory_space<vmem>>)
    %scan3A = arith.constant 0 : i32
    %scan3A_39 = arith.constant 0 : i32
    %scan3A_40 = arith.constant 1024 : i32
    %scan3A_41 = arith.addi %scan3A_39, %scan3A_40 : i32
    %scan3A_42 = arith.constant 16 : i32
    scf.for %scan3A_266 = %scan3A_39 to %scan3A_41 step %scan3A_42  : i32 {
      %mul3A_267 = arith.constant 16 : i32
      %mul3A_268 = arith.muli %scan3A_266, %mul3A_267 : i32
      %multiple_of3A = tpu.assume_multiple %mul3A_268, 16 : i32
      %get3A_269 = arith.index_cast %multiple_of3A : i32 to index
      %get3A_270 = tpu.vector_load %arg15[%get3A_269] {strides = array<i32>} : memref<16384xf32, #tpu.memory_space<vmem>>, vector<16xf32>,
      %bitcast_convert_type3A = tpu.bitcast %get3A_270 : vector<16xf32> -> vector<16xi32>
      %gather3A_271 = tpu.vector_load_idx %arg14[%bitcast_convert_type3A] : memref<100000xf32, #tpu.memory_space<vmem>>[vector<16xi32>], vector<16xf32>,
      %swap3A_272 = arith.index_cast %multiple_of3A : i32 to index
      %swap3A_273 = tpu.vector_load %arg15[%swap3A_272] {strides = array<i32>} : memref<16384xf32, #tpu.memory_space<vmem>>, vector<16xf32>,
      tpu.vector_store %arg15[%swap3A_272], %gather3A_271 {strides = array<i32>} : memref<16384xf32, #tpu.memory_space<vmem>>, vector<16xf32>,
      %scan3A_274 = arith.constant 1 : i32
      %scan3A_275 = arith.addi %scan3A_266, %scan3A_274 : i32
      %mul3A_276 = arith.constant 16 : i32
      %mul3A_277 = arith.muli %scan3A_275, %mul3A_276 : i32
      %multiple_of3A_278 = tpu.assume_multiple %mul3A_277, 16 : i32
      %get3A_279 = arith.index_cast %multiple_of3A_278 : i32 to index
      %get3A_280 = tpu.vector_load %arg15[%get3A_279] {strides = array<i32>} : memref<16384xf32, #tpu.memory_space<vmem>>, vector<16xf32>,
      %bitcast_convert_type3A_281 = tpu.bitcast %get3A_280 : vector<16xf32> -> vector<16xi32>
      %gather3A_282 = tpu.vector_load_idx %arg14[%bitcast_convert_type3A_281] : memref<100000xf32, #tpu.memory_space<vmem>>[vector<16xi32>], vector<16xf32>,
      %swap3A_283 = arith.index_cast %multiple_of3A_278 : i32 to index
      %swap3A_284 = tpu.vector_load %arg15[%swap3A_283] {strides = array<i32>} : memref<16384xf32, #tpu.memory_space<vmem>>, vector<16xf32>,
      tpu.vector_store %arg15[%swap3A_283], %gather3A_282 {strides = array<i32>} : memref<16384xf32, #tpu.memory_space<vmem>>, vector<16xf32>,
      %scan3A_285 = arith.constant 2 : i32
      %scan3A_286 = arith.addi %scan3A_266, %scan3A_285 : i32
      %mul3A_287 = arith.constant 16 : i32
      %mul3A_288 = arith.muli %scan3A_286, %mul3A_287 : i32
      %multiple_of3A_289 = tpu.assume_multiple %mul3A_288, 16 : i32
      %get3A_290 = arith.index_cast %multiple_of3A_289 : i32 to index
      %get3A_291 = tpu.vector_load %arg15[%get3A_290] {strides = array<i32>} : memref<16384xf32, #tpu.memory_space<vmem>>, vector<16xf32>,
      %bitcast_convert_type3A_292 = tpu.bitcast %get3A_291 : vector<16xf32> -> vector<16xi32>
      %gather3A_293 = tpu.vector_load_idx %arg14[%bitcast_convert_type3A_292] : memref<100000xf32, #tpu.memory_space<vmem>>[vector<16xi32>], vector<16xf32>,
      %swap3A_294 = arith.index_cast %multiple_of3A_289 : i32 to index
      %swap3A_295 = tpu.vector_load %arg15[%swap3A_294] {strides = array<i32>} : memref<16384xf32, #tpu.memory_space<vmem>>, vector<16xf32>,
      tpu.vector_store %arg15[%swap3A_294], %gather3A_293 {strides = array<i32>} : memref<16384xf32, #tpu.memory_space<vmem>>, vector<16xf32>,
      %scan3A_296 = arith.constant 3 : i32
      %scan3A_297 = arith.addi %scan3A_266, %scan3A_296 : i32
      %mul3A_298 = arith.constant 16 : i32
      %mul3A_299 = arith.muli %scan3A_297, %mul3A_298 : i32
      %multiple_of3A_300 = tpu.assume_multiple %mul3A_299, 16 : i32
      %get3A_301 = arith.index_cast %multiple_of3A_300 : i32 to index
      %get3A_302 = tpu.vector_load %arg15[%get3A_301] {strides = array<i32>} : memref<16384xf32, #tpu.memory_space<vmem>>, vector<16xf32>,
      %bitcast_convert_type3A_303 = tpu.bitcast %get3A_302 : vector<16xf32> -> vector<16xi32>
      %gather3A_304 = tpu.vector_load_idx %arg14[%bitcast_convert_type3A_303] : memref<100000xf32, #tpu.memory_space<vmem>>[vector<16xi32>], vector<16xf32>,
      %swap3A_305 = arith.index_cast %multiple_of3A_300 : i32 to index
      %swap3A_306 = tpu.vector_load %arg15[%swap3A_305] {strides = array<i32>} : memref<16384xf32, #tpu.memory_space<vmem>>, vector<16xf32>,
      tpu.vector_store %arg15[%swap3A_305], %gather3A_304 {strides = array<i32>} : memref<16384xf32, #tpu.memory_space<vmem>>, vector<16xf32>,
      %scan3A_307 = arith.constant 4 : i32
      %scan3A_308 = arith.addi %scan3A_266, %scan3A_307 : i32
      %mul3A_309 = arith.constant 16 : i32
      %mul3A_310 = arith.muli %scan3A_308, %mul3A_309 : i32
      %multiple_of3A_311 = tpu.assume_multiple %mul3A_310, 16 : i32
      %get3A_312 = arith.index_cast %multiple_of3A_311 : i32 to index
      %get3A_313 = tpu.vector_load %arg15[%get3A_312] {strides = array<i32>} : memref<16384xf32, #tpu.memory_space<vmem>>, vector<16xf32>,
      %bitcast_convert_type3A_314 = tpu.bitcast %get3A_313 : vector<16xf32> -> vector<16xi32>
      %gather3A_315 = tpu.vector_load_idx %arg14[%bitcast_convert_type3A_314] : memref<100000xf32, #tpu.memory_space<vmem>>[vector<16xi32>], vector<16xf32>,
      %swap3A_316 = arith.index_cast %multiple_of3A_311 : i32 to index
      %swap3A_317 = tpu.vector_load %arg15[%swap3A_316] {strides = array<i32>} : memref<16384xf32, #tpu.memory_space<vmem>>, vector<16xf32>,
      tpu.vector_store %arg15[%swap3A_316], %gather3A_315 {strides = array<i32>} : memref<16384xf32, #tpu.memory_space<vmem>>, vector<16xf32>,
      %scan3A_318 = arith.constant 5 : i32
      %scan3A_319 = arith.addi %scan3A_266, %scan3A_318 : i32
      %mul3A_320 = arith.constant 16 : i32
      %mul3A_321 = arith.muli %scan3A_319, %mul3A_320 : i32
      %multiple_of3A_322 = tpu.assume_multiple %mul3A_321, 16 : i32
      %get3A_323 = arith.index_cast %multiple_of3A_322 : i32 to index
      %get3A_324 = tpu.vector_load %arg15[%get3A_323] {strides = array<i32>} : memref<16384xf32, #tpu.memory_space<vmem>>, vector<16xf32>,
      %bitcast_convert_type3A_325 = tpu.bitcast %get3A_324 : vector<16xf32> -> vector<16xi32>
      %gather3A_326 = tpu.vector_load_idx %arg14[%bitcast_convert_type3A_325] : memref<100000xf32, #tpu.memory_space<vmem>>[vector<16xi32>], vector<16xf32>,
      %swap3A_327 = arith.index_cast %multiple_of3A_322 : i32 to index
      %swap3A_328 = tpu.vector_load %arg15[%swap3A_327] {strides = array<i32>} : memref<16384xf32, #tpu.memory_space<vmem>>, vector<16xf32>,
      tpu.vector_store %arg15[%swap3A_327], %gather3A_326 {strides = array<i32>} : memref<16384xf32, #tpu.memory_space<vmem>>, vector<16xf32>,
      %scan3A_329 = arith.constant 6 : i32
      %scan3A_330 = arith.addi %scan3A_266, %scan3A_329 : i32
      %mul3A_331 = arith.constant 16 : i32
      %mul3A_332 = arith.muli %scan3A_330, %mul3A_331 : i32
      %multiple_of3A_333 = tpu.assume_multiple %mul3A_332, 16 : i32
      %get3A_334 = arith.index_cast %multiple_of3A_333 : i32 to index
      %get3A_335 = tpu.vector_load %arg15[%get3A_334] {strides = array<i32>} : memref<16384xf32, #tpu.memory_space<vmem>>, vector<16xf32>,
      %bitcast_convert_type3A_336 = tpu.bitcast %get3A_335 : vector<16xf32> -> vector<16xi32>
      %gather3A_337 = tpu.vector_load_idx %arg14[%bitcast_convert_type3A_336] : memref<100000xf32, #tpu.memory_space<vmem>>[vector<16xi32>], vector<16xf32>,
      %swap3A_338 = arith.index_cast %multiple_of3A_333 : i32 to index
      %swap3A_339 = tpu.vector_load %arg15[%swap3A_338] {strides = array<i32>} : memref<16384xf32, #tpu.memory_space<vmem>>, vector<16xf32>,
      tpu.vector_store %arg15[%swap3A_338], %gather3A_337 {strides = array<i32>} : memref<16384xf32, #tpu.memory_space<vmem>>, vector<16xf32>,
      %scan3A_340 = arith.constant 7 : i32
      %scan3A_341 = arith.addi %scan3A_266, %scan3A_340 : i32
      %mul3A_342 = arith.constant 16 : i32
      %mul3A_343 = arith.muli %scan3A_341, %mul3A_342 : i32
      %multiple_of3A_344 = tpu.assume_multiple %mul3A_343, 16 : i32
      %get3A_345 = arith.index_cast %multiple_of3A_344 : i32 to index
      %get3A_346 = tpu.vector_load %arg15[%get3A_345] {strides = array<i32>} : memref<16384xf32, #tpu.memory_space<vmem>>, vector<16xf32>,
      %bitcast_convert_type3A_347 = tpu.bitcast %get3A_346 : vector<16xf32> -> vector<16xi32>
      %gather3A_348 = tpu.vector_load_idx %arg14[%bitcast_convert_type3A_347] : memref<100000xf32, #tpu.memory_space<vmem>>[vector<16xi32>], vector<16xf32>,
      %swap3A_349 = arith.index_cast %multiple_of3A_344 : i32 to index
      %swap3A_350 = tpu.vector_load %arg15[%swap3A_349] {strides = array<i32>} : memref<16384xf32, #tpu.memory_space<vmem>>, vector<16xf32>,
      tpu.vector_store %arg15[%swap3A_349], %gather3A_348 {strides = array<i32>} : memref<16384xf32, #tpu.memory_space<vmem>>, vector<16xf32>,
      %scan3A_351 = arith.constant 8 : i32
      %scan3A_352 = arith.addi %scan3A_266, %scan3A_351 : i32
      %mul3A_353 = arith.constant 16 : i32
      %mul3A_354 = arith.muli %scan3A_352, %mul3A_353 : i32
      %multiple_of3A_355 = tpu.assume_multiple %mul3A_354, 16 : i32
      %get3A_356 = arith.index_cast %multiple_of3A_355 : i32 to index
      %get3A_357 = tpu.vector_load %arg15[%get3A_356] {strides = array<i32>} : memref<16384xf32, #tpu.memory_space<vmem>>, vector<16xf32>,
      %bitcast_convert_type3A_358 = tpu.bitcast %get3A_357 : vector<16xf32> -> vector<16xi32>
      %gather3A_359 = tpu.vector_load_idx %arg14[%bitcast_convert_type3A_358] : memref<100000xf32, #tpu.memory_space<vmem>>[vector<16xi32>], vector<16xf32>,
      %swap3A_360 = arith.index_cast %multiple_of3A_355 : i32 to index
      %swap3A_361 = tpu.vector_load %arg15[%swap3A_360] {strides = array<i32>} : memref<16384xf32, #tpu.memory_space<vmem>>, vector<16xf32>,
      tpu.vector_store %arg15[%swap3A_360], %gather3A_359 {strides = array<i32>} : memref<16384xf32, #tpu.memory_space<vmem>>, vector<16xf32>,
      %scan3A_362 = arith.constant 9 : i32
      %scan3A_363 = arith.addi %scan3A_266, %scan3A_362 : i32
      %mul3A_364 = arith.constant 16 : i32
      %mul3A_365 = arith.muli %scan3A_363, %mul3A_364 : i32
      %multiple_of3A_366 = tpu.assume_multiple %mul3A_365, 16 : i32
      %get3A_367 = arith.index_cast %multiple_of3A_366 : i32 to index
      %get3A_368 = tpu.vector_load %arg15[%get3A_367] {strides = array<i32>} : memref<16384xf32, #tpu.memory_space<vmem>>, vector<16xf32>,
      %bitcast_convert_type3A_369 = tpu.bitcast %get3A_368 : vector<16xf32> -> vector<16xi32>
      %gather3A_370 = tpu.vector_load_idx %arg14[%bitcast_convert_type3A_369] : memref<100000xf32, #tpu.memory_space<vmem>>[vector<16xi32>], vector<16xf32>,
      %swap3A_371 = arith.index_cast %multiple_of3A_366 : i32 to index
      %swap3A_372 = tpu.vector_load %arg15[%swap3A_371] {strides = array<i32>} : memref<16384xf32, #tpu.memory_space<vmem>>, vector<16xf32>,
      tpu.vector_store %arg15[%swap3A_371], %gather3A_370 {strides = array<i32>} : memref<16384xf32, #tpu.memory_space<vmem>>, vector<16xf32>,
      %scan3A_373 = arith.constant 10 : i32
      %scan3A_374 = arith.addi %scan3A_266, %scan3A_373 : i32
      %mul3A_375 = arith.constant 16 : i32
      %mul3A_376 = arith.muli %scan3A_374, %mul3A_375 : i32
      %multiple_of3A_377 = tpu.assume_multiple %mul3A_376, 16 : i32
      %get3A_378 = arith.index_cast %multiple_of3A_377 : i32 to index
      %get3A_379 = tpu.vector_load %arg15[%get3A_378] {strides = array<i32>} : memref<16384xf32, #tpu.memory_space<vmem>>, vector<16xf32>,
      %bitcast_convert_type3A_380 = tpu.bitcast %get3A_379 : vector<16xf32> -> vector<16xi32>
      %gather3A_381 = tpu.vector_load_idx %arg14[%bitcast_convert_type3A_380] : memref<100000xf32, #tpu.memory_space<vmem>>[vector<16xi32>], vector<16xf32>,
      %swap3A_382 = arith.index_cast %multiple_of3A_377 : i32 to index
      %swap3A_383 = tpu.vector_load %arg15[%swap3A_382] {strides = array<i32>} : memref<16384xf32, #tpu.memory_space<vmem>>, vector<16xf32>,
      tpu.vector_store %arg15[%swap3A_382], %gather3A_381 {strides = array<i32>} : memref<16384xf32, #tpu.memory_space<vmem>>, vector<16xf32>,
      %scan3A_384 = arith.constant 11 : i32
      %scan3A_385 = arith.addi %scan3A_266, %scan3A_384 : i32
      %mul3A_386 = arith.constant 16 : i32
      %mul3A_387 = arith.muli %scan3A_385, %mul3A_386 : i32
      %multiple_of3A_388 = tpu.assume_multiple %mul3A_387, 16 : i32
      %get3A_389 = arith.index_cast %multiple_of3A_388 : i32 to index
      %get3A_390 = tpu.vector_load %arg15[%get3A_389] {strides = array<i32>} : memref<16384xf32, #tpu.memory_space<vmem>>, vector<16xf32>,
      %bitcast_convert_type3A_391 = tpu.bitcast %get3A_390 : vector<16xf32> -> vector<16xi32>
      %gather3A_392 = tpu.vector_load_idx %arg14[%bitcast_convert_type3A_391] : memref<100000xf32, #tpu.memory_space<vmem>>[vector<16xi32>], vector<16xf32>,
      %swap3A_393 = arith.index_cast %multiple_of3A_388 : i32 to index
      %swap3A_394 = tpu.vector_load %arg15[%swap3A_393] {strides = array<i32>} : memref<16384xf32, #tpu.memory_space<vmem>>, vector<16xf32>,
      tpu.vector_store %arg15[%swap3A_393], %gather3A_392 {strides = array<i32>} : memref<16384xf32, #tpu.memory_space<vmem>>, vector<16xf32>,
      %scan3A_395 = arith.constant 12 : i32
      %scan3A_396 = arith.addi %scan3A_266, %scan3A_395 : i32
      %mul3A_397 = arith.constant 16 : i32
      %mul3A_398 = arith.muli %scan3A_396, %mul3A_397 : i32
      %multiple_of3A_399 = tpu.assume_multiple %mul3A_398, 16 : i32
      %get3A_400 = arith.index_cast %multiple_of3A_399 : i32 to index
      %get3A_401 = tpu.vector_load %arg15[%get3A_400] {strides = array<i32>} : memref<16384xf32, #tpu.memory_space<vmem>>, vector<16xf32>,
      %bitcast_convert_type3A_402 = tpu.bitcast %get3A_401 : vector<16xf32> -> vector<16xi32>
      %gather3A_403 = tpu.vector_load_idx %arg14[%bitcast_convert_type3A_402] : memref<100000xf32, #tpu.memory_space<vmem>>[vector<16xi32>], vector<16xf32>,
      %swap3A_404 = arith.index_cast %multiple_of3A_399 : i32 to index
      %swap3A_405 = tpu.vector_load %arg15[%swap3A_404] {strides = array<i32>} : memref<16384xf32, #tpu.memory_space<vmem>>, vector<16xf32>,
      tpu.vector_store %arg15[%swap3A_404], %gather3A_403 {strides = array<i32>} : memref<16384xf32, #tpu.memory_space<vmem>>, vector<16xf32>,
      %scan3A_406 = arith.constant 13 : i32
      %scan3A_407 = arith.addi %scan3A_266, %scan3A_406 : i32
      %mul3A_408 = arith.constant 16 : i32
      %mul3A_409 = arith.muli %scan3A_407, %mul3A_408 : i32
      %multiple_of3A_410 = tpu.assume_multiple %mul3A_409, 16 : i32
      %get3A_411 = arith.index_cast %multiple_of3A_410 : i32 to index
      %get3A_412 = tpu.vector_load %arg15[%get3A_411] {strides = array<i32>} : memref<16384xf32, #tpu.memory_space<vmem>>, vector<16xf32>,
      %bitcast_convert_type3A_413 = tpu.bitcast %get3A_412 : vector<16xf32> -> vector<16xi32>
      %gather3A_414 = tpu.vector_load_idx %arg14[%bitcast_convert_type3A_413] : memref<100000xf32, #tpu.memory_space<vmem>>[vector<16xi32>], vector<16xf32>,
      %swap3A_415 = arith.index_cast %multiple_of3A_410 : i32 to index
      %swap3A_416 = tpu.vector_load %arg15[%swap3A_415] {strides = array<i32>} : memref<16384xf32, #tpu.memory_space<vmem>>, vector<16xf32>,
      tpu.vector_store %arg15[%swap3A_415], %gather3A_414 {strides = array<i32>} : memref<16384xf32, #tpu.memory_space<vmem>>, vector<16xf32>,
      %scan3A_417 = arith.constant 14 : i32
      %scan3A_418 = arith.addi %scan3A_266, %scan3A_417 : i32
      %mul3A_419 = arith.constant 16 : i32
      %mul3A_420 = arith.muli %scan3A_418, %mul3A_419 : i32
      %multiple_of3A_421 = tpu.assume_multiple %mul3A_420, 16 : i32
      %get3A_422 = arith.index_cast %multiple_of3A_421 : i32 to index
      %get3A_423 = tpu.vector_load %arg15[%get3A_422] {strides = array<i32>} : memref<16384xf32, #tpu.memory_space<vmem>>, vector<16xf32>,
      %bitcast_convert_type3A_424 = tpu.bitcast %get3A_423 : vector<16xf32> -> vector<16xi32>
      %gather3A_425 = tpu.vector_load_idx %arg14[%bitcast_convert_type3A_424] : memref<100000xf32, #tpu.memory_space<vmem>>[vector<16xi32>], vector<16xf32>,
      %swap3A_426 = arith.index_cast %multiple_of3A_421 : i32 to index
      %swap3A_427 = tpu.vector_load %arg15[%swap3A_426] {strides = array<i32>} : memref<16384xf32, #tpu.memory_space<vmem>>, vector<16xf32>,
      tpu.vector_store %arg15[%swap3A_426], %gather3A_425 {strides = array<i32>} : memref<16384xf32, #tpu.memory_space<vmem>>, vector<16xf32>,
      %scan3A_428 = arith.constant 15 : i32
      %scan3A_429 = arith.addi %scan3A_266, %scan3A_428 : i32
      %mul3A_430 = arith.constant 16 : i32
      %mul3A_431 = arith.muli %scan3A_429, %mul3A_430 : i32
      %multiple_of3A_432 = tpu.assume_multiple %mul3A_431, 16 : i32
      %get3A_433 = arith.index_cast %multiple_of3A_432 : i32 to index
      %get3A_434 = tpu.vector_load %arg15[%get3A_433] {strides = array<i32>} : memref<16384xf32, #tpu.memory_space<vmem>>, vector<16xf32>,
      %bitcast_convert_type3A_435 = tpu.bitcast %get3A_434 : vector<16xf32> -> vector<16xi32>
      %gather3A_436 = tpu.vector_load_idx %arg14[%bitcast_convert_type3A_435] : memref<100000xf32, #tpu.memory_space<vmem>>[vector<16xi32>], vector<16xf32>,
      %swap3A_437 = arith.index_cast %multiple_of3A_432 : i32 to index
      %swap3A_438 = tpu.vector_load %arg15[%swap3A_437] {strides = array<i32>} : memref<16384xf32, #tpu.memory_space<vmem>>, vector<16xf32>,
      tpu.vector_store %arg15[%swap3A_437], %gather3A_436 {strides = array<i32>} : memref<16384xf32, #tpu.memory_space<vmem>>, vector<16xf32>,
    }
    %scan3A_43 = arith.constant 1024 : i32
    %mul3A_44 = arith.constant 2 : i32
    %mul3A_45 = arith.muli %add3A, %mul3A_44 : i32
    %add3A_46 = arith.constant 1 : i32
    %add3A_47 = arith.addi %mul3A_45, %add3A_46 : i32
    %dma_start3A_48 = arith.constant 0 : i32
    %dma_start3A_49 = tpu.memref_slice %arg2[%add3A_47, %dma_start3A_48] : memref<64x100000xf32, #tpu.memory_space<hbm>> -> memref<1x100000xf32, #tpu.memory_space<hbm>>
    %dma_start3A_50 = tpu.memref_squeeze %dma_start3A_49 : memref<1x100000xf32, #tpu.memory_space<hbm>> -> memref<100000xf32, #tpu.memory_space<hbm>>
    %dma_start3A_51 = arith.constant 0 : i32
    %dma_start3A_52 = tpu.memref_slice %arg2[%add3A_47, %dma_start3A_51] : memref<64x100000xf32, #tpu.memory_space<hbm>> -> memref<1x100000xf32, #tpu.memory_space<hbm>>
    %dma_start3A_53 = tpu.memref_squeeze %dma_start3A_52 : memref<1x100000xf32, #tpu.memory_space<hbm>> -> memref<100000xf32, #tpu.memory_space<hbm>>
    tpu.enqueue_dma source(%dma_start3A_53 : memref<100000xf32, #tpu.memory_space<hbm>>) target(%arg14 : memref<100000xf32, #tpu.memory_space<vmem>>) target_semaphore(%arg21 : memref<!tpu.dma_semaphore, #tpu.memory_space<semaphore_mem>>)
    %dma_start3A_54 = arith.constant 0 : i32
    %dma_start3A_55 = tpu.memref_slice %arg9[%add3A_33, %dma_start3A_54] : memref<64x16384xf32, #tpu.memory_space<hbm>> -> memref<1x16384xf32, #tpu.memory_space<hbm>>
    %dma_start3A_56 = tpu.memref_squeeze %dma_start3A_55 : memref<1x16384xf32, #tpu.memory_space<hbm>> -> memref<16384xf32, #tpu.memory_space<hbm>>
    %dma_start3A_57 = arith.constant 0 : i32
    %dma_start3A_58 = tpu.memref_slice %arg9[%add3A_33, %dma_start3A_57] : memref<64x16384xf32, #tpu.memory_space<hbm>> -> memref<1x16384xf32, #tpu.memory_space<hbm>>
    %dma_start3A_59 = tpu.memref_squeeze %dma_start3A_58 : memref<1x16384xf32, #tpu.memory_space<hbm>> -> memref<16384xf32, #tpu.memory_space<hbm>>
    tpu.enqueue_dma source(%arg15 : memref<16384xf32, #tpu.memory_space<vmem>>) target(%dma_start3A_59 : memref<16384xf32, #tpu.memory_space<hbm>>) target_semaphore(%arg23 : memref<!tpu.dma_semaphore, #tpu.memory_space<semaphore_mem>>)
    %mul3A_60 = arith.constant 2 : i32
    %mul3A_61 = arith.muli %add3A, %mul3A_60 : i32
    %add3A_62 = arith.constant 1 : i32
    %add3A_63 = arith.addi %mul3A_61, %add3A_62 : i32
    %dma_wait3A_64 = arith.constant 0 : i32
    %dma_wait3A_65 = tpu.memref_slice %arg9[%add3A_33, %dma_wait3A_64] : memref<64x16384xf32, #tpu.memory_space<hbm>> -> memref<1x16384xf32, #tpu.memory_space<hbm>>
    %dma_wait3A_66 = tpu.memref_squeeze %dma_wait3A_65 : memref<1x16384xf32, #tpu.memory_space<hbm>> -> memref<16384xf32, #tpu.memory_space<hbm>>
    %dma_wait3A_67 = arith.constant 0 : i32
    %dma_wait3A_68 = tpu.memref_slice %arg9[%add3A_33, %dma_wait3A_67] : memref<64x16384xf32, #tpu.memory_space<hbm>> -> memref<1x16384xf32, #tpu.memory_space<hbm>>
    %dma_wait3A_69 = tpu.memref_squeeze %dma_wait3A_68 : memref<1x16384xf32, #tpu.memory_space<hbm>> -> memref<16384xf32, #tpu.memory_space<hbm>>
    tpu.wait_dma2 semaphore(%arg23 : memref<!tpu.dma_semaphore, #tpu.memory_space<semaphore_mem>>) src(%arg15 : memref<16384xf32, #tpu.memory_space<vmem>>) dst(%dma_wait3A_69 : memref<16384xf32, #tpu.memory_space<hbm>>)
    tpu.enqueue_dma source(%arg5 : memref<16384xf32, #tpu.memory_space<hbm>>) target(%arg15 : memref<16384xf32, #tpu.memory_space<vmem>>) target_semaphore(%arg22 : memref<!tpu.dma_semaphore, #tpu.memory_space<semaphore_mem>>)
    tpu.wait_dma2 semaphore(%arg22 : memref<!tpu.dma_semaphore, #tpu.memory_space<semaphore_mem>>) src(%arg5 : memref<16384xf32, #tpu.memory_space<hbm>>) dst(%arg15 : memref<16384xf32, #tpu.memory_space<vmem>>)
    %dma_wait3A_70 = arith.constant 0 : i32
    %dma_wait3A_71 = tpu.memref_slice %arg2[%add3A_47, %dma_wait3A_70] : memref<64x100000xf32, #tpu.memory_space<hbm>> -> memref<1x100000xf32, #tpu.memory_space<hbm>>
    %dma_wait3A_72 = tpu.memref_squeeze %dma_wait3A_71 : memref<1x100000xf32, #tpu.memory_space<hbm>> -> memref<100000xf32, #tpu.memory_space<hbm>>
    %dma_wait3A_73 = arith.constant 0 : i32
    %dma_wait3A_74 = tpu.memref_slice %arg2[%add3A_47, %dma_wait3A_73] : memref<64x100000xf32, #tpu.memory_space<hbm>> -> memref<1x100000xf32, #tpu.memory_space<hbm>>
    %dma_wait3A_75 = tpu.memref_squeeze %dma_wait3A_74 : memref<1x100000xf32, #tpu.memory_space<hbm>> -> memref<100000xf32, #tpu.memory_space<hbm>>
    tpu.wait_dma2 semaphore(%arg21 : memref<!tpu.dma_semaphore, #tpu.memory_space<semaphore_mem>>) src(%dma_wait3A_75 : memref<100000xf32, #tpu.memory_space<hbm>>) dst(%arg14 : memref<100000xf32, #tpu.memory_space<vmem>>)
    %scan3A_76 = arith.constant 0 : i32
    %scan3A_77 = arith.constant 0 : i32
    %scan3A_78 = arith.constant 1024 : i32
    %scan3A_79 = arith.addi %scan3A_77, %scan3A_78 : i32
    %scan3A_80 = arith.constant 16 : i32
    scf.for %scan3A_266 = %scan3A_77 to %scan3A_79 step %scan3A_80  : i32 {
      %mul3A_267 = arith.constant 16 : i32
      %mul3A_268 = arith.muli %scan3A_266, %mul3A_267 : i32
      %multiple_of3A = tpu.assume_multiple %mul3A_268, 16 : i32
      %get3A_269 = arith.index_cast %multiple_of3A : i32 to index
      %get3A_270 = tpu.vector_load %arg15[%get3A_269] {strides = array<i32>} : memref<16384xf32, #tpu.memory_space<vmem>>, vector<16xf32>,
      %bitcast_convert_type3A = tpu.bitcast %get3A_270 : vector<16xf32> -> vector<16xi32>
      %gather3A_271 = tpu.vector_load_idx %arg14[%bitcast_convert_type3A] : memref<100000xf32, #tpu.memory_space<vmem>>[vector<16xi32>], vector<16xf32>,
      %swap3A_272 = arith.index_cast %multiple_of3A : i32 to index
      %swap3A_273 = tpu.vector_load %arg15[%swap3A_272] {strides = array<i32>} : memref<16384xf32, #tpu.memory_space<vmem>>, vector<16xf32>,
      tpu.vector_store %arg15[%swap3A_272], %gather3A_271 {strides = array<i32>} : memref<16384xf32, #tpu.memory_space<vmem>>, vector<16xf32>,
      %scan3A_274 = arith.constant 1 : i32
      %scan3A_275 = arith.addi %scan3A_266, %scan3A_274 : i32
      %mul3A_276 = arith.constant 16 : i32
      %mul3A_277 = arith.muli %scan3A_275, %mul3A_276 : i32
      %multiple_of3A_278 = tpu.assume_multiple %mul3A_277, 16 : i32
      %get3A_279 = arith.index_cast %multiple_of3A_278 : i32 to index
      %get3A_280 = tpu.vector_load %arg15[%get3A_279] {strides = array<i32>} : memref<16384xf32, #tpu.memory_space<vmem>>, vector<16xf32>,
      %bitcast_convert_type3A_281 = tpu.bitcast %get3A_280 : vector<16xf32> -> vector<16xi32>
      %gather3A_282 = tpu.vector_load_idx %arg14[%bitcast_convert_type3A_281] : memref<100000xf32, #tpu.memory_space<vmem>>[vector<16xi32>], vector<16xf32>,
      %swap3A_283 = arith.index_cast %multiple_of3A_278 : i32 to index
      %swap3A_284 = tpu.vector_load %arg15[%swap3A_283] {strides = array<i32>} : memref<16384xf32, #tpu.memory_space<vmem>>, vector<16xf32>,
      tpu.vector_store %arg15[%swap3A_283], %gather3A_282 {strides = array<i32>} : memref<16384xf32, #tpu.memory_space<vmem>>, vector<16xf32>,
      %scan3A_285 = arith.constant 2 : i32
      %scan3A_286 = arith.addi %scan3A_266, %scan3A_285 : i32
      %mul3A_287 = arith.constant 16 : i32
      %mul3A_288 = arith.muli %scan3A_286, %mul3A_287 : i32
      %multiple_of3A_289 = tpu.assume_multiple %mul3A_288, 16 : i32
      %get3A_290 = arith.index_cast %multiple_of3A_289 : i32 to index
      %get3A_291 = tpu.vector_load %arg15[%get3A_290] {strides = array<i32>} : memref<16384xf32, #tpu.memory_space<vmem>>, vector<16xf32>,
      %bitcast_convert_type3A_292 = tpu.bitcast %get3A_291 : vector<16xf32> -> vector<16xi32>
      %gather3A_293 = tpu.vector_load_idx %arg14[%bitcast_convert_type3A_292] : memref<100000xf32, #tpu.memory_space<vmem>>[vector<16xi32>], vector<16xf32>,
      %swap3A_294 = arith.index_cast %multiple_of3A_289 : i32 to index
      %swap3A_295 = tpu.vector_load %arg15[%swap3A_294] {strides = array<i32>} : memref<16384xf32, #tpu.memory_space<vmem>>, vector<16xf32>,
      tpu.vector_store %arg15[%swap3A_294], %gather3A_293 {strides = array<i32>} : memref<16384xf32, #tpu.memory_space<vmem>>, vector<16xf32>,
      %scan3A_296 = arith.constant 3 : i32
      %scan3A_297 = arith.addi %scan3A_266, %scan3A_296 : i32
      %mul3A_298 = arith.constant 16 : i32
      %mul3A_299 = arith.muli %scan3A_297, %mul3A_298 : i32
      %multiple_of3A_300 = tpu.assume_multiple %mul3A_299, 16 : i32
      %get3A_301 = arith.index_cast %multiple_of3A_300 : i32 to index
      %get3A_302 = tpu.vector_load %arg15[%get3A_301] {strides = array<i32>} : memref<16384xf32, #tpu.memory_space<vmem>>, vector<16xf32>,
      %bitcast_convert_type3A_303 = tpu.bitcast %get3A_302 : vector<16xf32> -> vector<16xi32>
      %gather3A_304 = tpu.vector_load_idx %arg14[%bitcast_convert_type3A_303] : memref<100000xf32, #tpu.memory_space<vmem>>[vector<16xi32>], vector<16xf32>,
      %swap3A_305 = arith.index_cast %multiple_of3A_300 : i32 to index
      %swap3A_306 = tpu.vector_load %arg15[%swap3A_305] {strides = array<i32>} : memref<16384xf32, #tpu.memory_space<vmem>>, vector<16xf32>,
      tpu.vector_store %arg15[%swap3A_305], %gather3A_304 {strides = array<i32>} : memref<16384xf32, #tpu.memory_space<vmem>>, vector<16xf32>,
      %scan3A_307 = arith.constant 4 : i32
      %scan3A_308 = arith.addi %scan3A_266, %scan3A_307 : i32
      %mul3A_309 = arith.constant 16 : i32
      %mul3A_310 = arith.muli %scan3A_308, %mul3A_309 : i32
      %multiple_of3A_311 = tpu.assume_multiple %mul3A_310, 16 : i32
      %get3A_312 = arith.index_cast %multiple_of3A_311 : i32 to index
      %get3A_313 = tpu.vector_load %arg15[%get3A_312] {strides = array<i32>} : memref<16384xf32, #tpu.memory_space<vmem>>, vector<16xf32>,
      %bitcast_convert_type3A_314 = tpu.bitcast %get3A_313 : vector<16xf32> -> vector<16xi32>
      %gather3A_315 = tpu.vector_load_idx %arg14[%bitcast_convert_type3A_314] : memref<100000xf32, #tpu.memory_space<vmem>>[vector<16xi32>], vector<16xf32>,
      %swap3A_316 = arith.index_cast %multiple_of3A_311 : i32 to index
      %swap3A_317 = tpu.vector_load %arg15[%swap3A_316] {strides = array<i32>} : memref<16384xf32, #tpu.memory_space<vmem>>, vector<16xf32>,
      tpu.vector_store %arg15[%swap3A_316], %gather3A_315 {strides = array<i32>} : memref<16384xf32, #tpu.memory_space<vmem>>, vector<16xf32>,
      %scan3A_318 = arith.constant 5 : i32
      %scan3A_319 = arith.addi %scan3A_266, %scan3A_318 : i32
      %mul3A_320 = arith.constant 16 : i32
      %mul3A_321 = arith.muli %scan3A_319, %mul3A_320 : i32
      %multiple_of3A_322 = tpu.assume_multiple %mul3A_321, 16 : i32
      %get3A_323 = arith.index_cast %multiple_of3A_322 : i32 to index
      %get3A_324 = tpu.vector_load %arg15[%get3A_323] {strides = array<i32>} : memref<16384xf32, #tpu.memory_space<vmem>>, vector<16xf32>,
      %bitcast_convert_type3A_325 = tpu.bitcast %get3A_324 : vector<16xf32> -> vector<16xi32>
      %gather3A_326 = tpu.vector_load_idx %arg14[%bitcast_convert_type3A_325] : memref<100000xf32, #tpu.memory_space<vmem>>[vector<16xi32>], vector<16xf32>,
      %swap3A_327 = arith.index_cast %multiple_of3A_322 : i32 to index
      %swap3A_328 = tpu.vector_load %arg15[%swap3A_327] {strides = array<i32>} : memref<16384xf32, #tpu.memory_space<vmem>>, vector<16xf32>,
      tpu.vector_store %arg15[%swap3A_327], %gather3A_326 {strides = array<i32>} : memref<16384xf32, #tpu.memory_space<vmem>>, vector<16xf32>,
      %scan3A_329 = arith.constant 6 : i32
      %scan3A_330 = arith.addi %scan3A_266, %scan3A_329 : i32
      %mul3A_331 = arith.constant 16 : i32
      %mul3A_332 = arith.muli %scan3A_330, %mul3A_331 : i32
      %multiple_of3A_333 = tpu.assume_multiple %mul3A_332, 16 : i32
      %get3A_334 = arith.index_cast %multiple_of3A_333 : i32 to index
      %get3A_335 = tpu.vector_load %arg15[%get3A_334] {strides = array<i32>} : memref<16384xf32, #tpu.memory_space<vmem>>, vector<16xf32>,
      %bitcast_convert_type3A_336 = tpu.bitcast %get3A_335 : vector<16xf32> -> vector<16xi32>
      %gather3A_337 = tpu.vector_load_idx %arg14[%bitcast_convert_type3A_336] : memref<100000xf32, #tpu.memory_space<vmem>>[vector<16xi32>], vector<16xf32>,
      %swap3A_338 = arith.index_cast %multiple_of3A_333 : i32 to index
      %swap3A_339 = tpu.vector_load %arg15[%swap3A_338] {strides = array<i32>} : memref<16384xf32, #tpu.memory_space<vmem>>, vector<16xf32>,
      tpu.vector_store %arg15[%swap3A_338], %gather3A_337 {strides = array<i32>} : memref<16384xf32, #tpu.memory_space<vmem>>, vector<16xf32>,
      %scan3A_340 = arith.constant 7 : i32
      %scan3A_341 = arith.addi %scan3A_266, %scan3A_340 : i32
      %mul3A_342 = arith.constant 16 : i32
      %mul3A_343 = arith.muli %scan3A_341, %mul3A_342 : i32
      %multiple_of3A_344 = tpu.assume_multiple %mul3A_343, 16 : i32
      %get3A_345 = arith.index_cast %multiple_of3A_344 : i32 to index
      %get3A_346 = tpu.vector_load %arg15[%get3A_345] {strides = array<i32>} : memref<16384xf32, #tpu.memory_space<vmem>>, vector<16xf32>,
      %bitcast_convert_type3A_347 = tpu.bitcast %get3A_346 : vector<16xf32> -> vector<16xi32>
      %gather3A_348 = tpu.vector_load_idx %arg14[%bitcast_convert_type3A_347] : memref<100000xf32, #tpu.memory_space<vmem>>[vector<16xi32>], vector<16xf32>,
      %swap3A_349 = arith.index_cast %multiple_of3A_344 : i32 to index
      %swap3A_350 = tpu.vector_load %arg15[%swap3A_349] {strides = array<i32>} : memref<16384xf32, #tpu.memory_space<vmem>>, vector<16xf32>,
      tpu.vector_store %arg15[%swap3A_349], %gather3A_348 {strides = array<i32>} : memref<16384xf32, #tpu.memory_space<vmem>>, vector<16xf32>,
      %scan3A_351 = arith.constant 8 : i32
      %scan3A_352 = arith.addi %scan3A_266, %scan3A_351 : i32
      %mul3A_353 = arith.constant 16 : i32
      %mul3A_354 = arith.muli %scan3A_352, %mul3A_353 : i32
      %multiple_of3A_355 = tpu.assume_multiple %mul3A_354, 16 : i32
      %get3A_356 = arith.index_cast %multiple_of3A_355 : i32 to index
      %get3A_357 = tpu.vector_load %arg15[%get3A_356] {strides = array<i32>} : memref<16384xf32, #tpu.memory_space<vmem>>, vector<16xf32>,
      %bitcast_convert_type3A_358 = tpu.bitcast %get3A_357 : vector<16xf32> -> vector<16xi32>
      %gather3A_359 = tpu.vector_load_idx %arg14[%bitcast_convert_type3A_358] : memref<100000xf32, #tpu.memory_space<vmem>>[vector<16xi32>], vector<16xf32>,
      %swap3A_360 = arith.index_cast %multiple_of3A_355 : i32 to index
      %swap3A_361 = tpu.vector_load %arg15[%swap3A_360] {strides = array<i32>} : memref<16384xf32, #tpu.memory_space<vmem>>, vector<16xf32>,
      tpu.vector_store %arg15[%swap3A_360], %gather3A_359 {strides = array<i32>} : memref<16384xf32, #tpu.memory_space<vmem>>, vector<16xf32>,
      %scan3A_362 = arith.constant 9 : i32
      %scan3A_363 = arith.addi %scan3A_266, %scan3A_362 : i32
      %mul3A_364 = arith.constant 16 : i32
      %mul3A_365 = arith.muli %scan3A_363, %mul3A_364 : i32
      %multiple_of3A_366 = tpu.assume_multiple %mul3A_365, 16 : i32
      %get3A_367 = arith.index_cast %multiple_of3A_366 : i32 to index
      %get3A_368 = tpu.vector_load %arg15[%get3A_367] {strides = array<i32>} : memref<16384xf32, #tpu.memory_space<vmem>>, vector<16xf32>,
      %bitcast_convert_type3A_369 = tpu.bitcast %get3A_368 : vector<16xf32> -> vector<16xi32>
      %gather3A_370 = tpu.vector_load_idx %arg14[%bitcast_convert_type3A_369] : memref<100000xf32, #tpu.memory_space<vmem>>[vector<16xi32>], vector<16xf32>,
      %swap3A_371 = arith.index_cast %multiple_of3A_366 : i32 to index
      %swap3A_372 = tpu.vector_load %arg15[%swap3A_371] {strides = array<i32>} : memref<16384xf32, #tpu.memory_space<vmem>>, vector<16xf32>,
      tpu.vector_store %arg15[%swap3A_371], %gather3A_370 {strides = array<i32>} : memref<16384xf32, #tpu.memory_space<vmem>>, vector<16xf32>,
      %scan3A_373 = arith.constant 10 : i32
      %scan3A_374 = arith.addi %scan3A_266, %scan3A_373 : i32
      %mul3A_375 = arith.constant 16 : i32
      %mul3A_376 = arith.muli %scan3A_374, %mul3A_375 : i32
      %multiple_of3A_377 = tpu.assume_multiple %mul3A_376, 16 : i32
      %get3A_378 = arith.index_cast %multiple_of3A_377 : i32 to index
      %get3A_379 = tpu.vector_load %arg15[%get3A_378] {strides = array<i32>} : memref<16384xf32, #tpu.memory_space<vmem>>, vector<16xf32>,
      %bitcast_convert_type3A_380 = tpu.bitcast %get3A_379 : vector<16xf32> -> vector<16xi32>
      %gather3A_381 = tpu.vector_load_idx %arg14[%bitcast_convert_type3A_380] : memref<100000xf32, #tpu.memory_space<vmem>>[vector<16xi32>], vector<16xf32>,
      %swap3A_382 = arith.index_cast %multiple_of3A_377 : i32 to index
      %swap3A_383 = tpu.vector_load %arg15[%swap3A_382] {strides = array<i32>} : memref<16384xf32, #tpu.memory_space<vmem>>, vector<16xf32>,
      tpu.vector_store %arg15[%swap3A_382], %gather3A_381 {strides = array<i32>} : memref<16384xf32, #tpu.memory_space<vmem>>, vector<16xf32>,
      %scan3A_384 = arith.constant 11 : i32
      %scan3A_385 = arith.addi %scan3A_266, %scan3A_384 : i32
      %mul3A_386 = arith.constant 16 : i32
      %mul3A_387 = arith.muli %scan3A_385, %mul3A_386 : i32
      %multiple_of3A_388 = tpu.assume_multiple %mul3A_387, 16 : i32
      %get3A_389 = arith.index_cast %multiple_of3A_388 : i32 to index
      %get3A_390 = tpu.vector_load %arg15[%get3A_389] {strides = array<i32>} : memref<16384xf32, #tpu.memory_space<vmem>>, vector<16xf32>,
      %bitcast_convert_type3A_391 = tpu.bitcast %get3A_390 : vector<16xf32> -> vector<16xi32>
      %gather3A_392 = tpu.vector_load_idx %arg14[%bitcast_convert_type3A_391] : memref<100000xf32, #tpu.memory_space<vmem>>[vector<16xi32>], vector<16xf32>,
      %swap3A_393 = arith.index_cast %multiple_of3A_388 : i32 to index
      %swap3A_394 = tpu.vector_load %arg15[%swap3A_393] {strides = array<i32>} : memref<16384xf32, #tpu.memory_space<vmem>>, vector<16xf32>,
      tpu.vector_store %arg15[%swap3A_393], %gather3A_392 {strides = array<i32>} : memref<16384xf32, #tpu.memory_space<vmem>>, vector<16xf32>,
      %scan3A_395 = arith.constant 12 : i32
      %scan3A_396 = arith.addi %scan3A_266, %scan3A_395 : i32
      %mul3A_397 = arith.constant 16 : i32
      %mul3A_398 = arith.muli %scan3A_396, %mul3A_397 : i32
      %multiple_of3A_399 = tpu.assume_multiple %mul3A_398, 16 : i32
      %get3A_400 = arith.index_cast %multiple_of3A_399 : i32 to index
      %get3A_401 = tpu.vector_load %arg15[%get3A_400] {strides = array<i32>} : memref<16384xf32, #tpu.memory_space<vmem>>, vector<16xf32>,
      %bitcast_convert_type3A_402 = tpu.bitcast %get3A_401 : vector<16xf32> -> vector<16xi32>
      %gather3A_403 = tpu.vector_load_idx %arg14[%bitcast_convert_type3A_402] : memref<100000xf32, #tpu.memory_space<vmem>>[vector<16xi32>], vector<16xf32>,
      %swap3A_404 = arith.index_cast %multiple_of3A_399 : i32 to index
      %swap3A_405 = tpu.vector_load %arg15[%swap3A_404] {strides = array<i32>} : memref<16384xf32, #tpu.memory_space<vmem>>, vector<16xf32>,
      tpu.vector_store %arg15[%swap3A_404], %gather3A_403 {strides = array<i32>} : memref<16384xf32, #tpu.memory_space<vmem>>, vector<16xf32>,
      %scan3A_406 = arith.constant 13 : i32
      %scan3A_407 = arith.addi %scan3A_266, %scan3A_406 : i32
      %mul3A_408 = arith.constant 16 : i32
      %mul3A_409 = arith.muli %scan3A_407, %mul3A_408 : i32
      %multiple_of3A_410 = tpu.assume_multiple %mul3A_409, 16 : i32
      %get3A_411 = arith.index_cast %multiple_of3A_410 : i32 to index
      %get3A_412 = tpu.vector_load %arg15[%get3A_411] {strides = array<i32>} : memref<16384xf32, #tpu.memory_space<vmem>>, vector<16xf32>,
      %bitcast_convert_type3A_413 = tpu.bitcast %get3A_412 : vector<16xf32> -> vector<16xi32>
      %gather3A_414 = tpu.vector_load_idx %arg14[%bitcast_convert_type3A_413] : memref<100000xf32, #tpu.memory_space<vmem>>[vector<16xi32>], vector<16xf32>,
      %swap3A_415 = arith.index_cast %multiple_of3A_410 : i32 to index
      %swap3A_416 = tpu.vector_load %arg15[%swap3A_415] {strides = array<i32>} : memref<16384xf32, #tpu.memory_space<vmem>>, vector<16xf32>,
      tpu.vector_store %arg15[%swap3A_415], %gather3A_414 {strides = array<i32>} : memref<16384xf32, #tpu.memory_space<vmem>>, vector<16xf32>,
      %scan3A_417 = arith.constant 14 : i32
      %scan3A_418 = arith.addi %scan3A_266, %scan3A_417 : i32
      %mul3A_419 = arith.constant 16 : i32
      %mul3A_420 = arith.muli %scan3A_418, %mul3A_419 : i32
      %multiple_of3A_421 = tpu.assume_multiple %mul3A_420, 16 : i32
      %get3A_422 = arith.index_cast %multiple_of3A_421 : i32 to index
      %get3A_423 = tpu.vector_load %arg15[%get3A_422] {strides = array<i32>} : memref<16384xf32, #tpu.memory_space<vmem>>, vector<16xf32>,
      %bitcast_convert_type3A_424 = tpu.bitcast %get3A_423 : vector<16xf32> -> vector<16xi32>
      %gather3A_425 = tpu.vector_load_idx %arg14[%bitcast_convert_type3A_424] : memref<100000xf32, #tpu.memory_space<vmem>>[vector<16xi32>], vector<16xf32>,
      %swap3A_426 = arith.index_cast %multiple_of3A_421 : i32 to index
      %swap3A_427 = tpu.vector_load %arg15[%swap3A_426] {strides = array<i32>} : memref<16384xf32, #tpu.memory_space<vmem>>, vector<16xf32>,
      tpu.vector_store %arg15[%swap3A_426], %gather3A_425 {strides = array<i32>} : memref<16384xf32, #tpu.memory_space<vmem>>, vector<16xf32>,
      %scan3A_428 = arith.constant 15 : i32
      %scan3A_429 = arith.addi %scan3A_266, %scan3A_428 : i32
      %mul3A_430 = arith.constant 16 : i32
      %mul3A_431 = arith.muli %scan3A_429, %mul3A_430 : i32
      %multiple_of3A_432 = tpu.assume_multiple %mul3A_431, 16 : i32
      %get3A_433 = arith.index_cast %multiple_of3A_432 : i32 to index
      %get3A_434 = tpu.vector_load %arg15[%get3A_433] {strides = array<i32>} : memref<16384xf32, #tpu.memory_space<vmem>>, vector<16xf32>,
      %bitcast_convert_type3A_435 = tpu.bitcast %get3A_434 : vector<16xf32> -> vector<16xi32>
      %gather3A_436 = tpu.vector_load_idx %arg14[%bitcast_convert_type3A_435] : memref<100000xf32, #tpu.memory_space<vmem>>[vector<16xi32>], vector<16xf32>,
      %swap3A_437 = arith.index_cast %multiple_of3A_432 : i32 to index
      %swap3A_438 = tpu.vector_load %arg15[%swap3A_437] {strides = array<i32>} : memref<16384xf32, #tpu.memory_space<vmem>>, vector<16xf32>,
      tpu.vector_store %arg15[%swap3A_437], %gather3A_436 {strides = array<i32>} : memref<16384xf32, #tpu.memory_space<vmem>>, vector<16xf32>,
    }
    %scan3A_81 = arith.constant 1024 : i32
    %mul3A_82 = arith.constant 2 : i32
    %mul3A_83 = arith.muli %add3A, %mul3A_82 : i32
    %add3A_84 = arith.constant 0 : i32
    %add3A_85 = arith.addi %mul3A_83, %add3A_84 : i32
    %dma_start3A_86 = arith.constant 0 : i32
    %dma_start3A_87 = tpu.memref_slice %arg3[%add3A_85, %dma_start3A_86] : memref<64x100000xf32, #tpu.memory_space<hbm>> -> memref<1x100000xf32, #tpu.memory_space<hbm>>
    %dma_start3A_88 = tpu.memref_squeeze %dma_start3A_87 : memref<1x100000xf32, #tpu.memory_space<hbm>> -> memref<100000xf32, #tpu.memory_space<hbm>>
    %dma_start3A_89 = arith.constant 0 : i32
    %dma_start3A_90 = tpu.memref_slice %arg3[%add3A_85, %dma_start3A_89] : memref<64x100000xf32, #tpu.memory_space<hbm>> -> memref<1x100000xf32, #tpu.memory_space<hbm>>
    %dma_start3A_91 = tpu.memref_squeeze %dma_start3A_90 : memref<1x100000xf32, #tpu.memory_space<hbm>> -> memref<100000xf32, #tpu.memory_space<hbm>>
    tpu.enqueue_dma source(%dma_start3A_91 : memref<100000xf32, #tpu.memory_space<hbm>>) target(%arg14 : memref<100000xf32, #tpu.memory_space<vmem>>) target_semaphore(%arg21 : memref<!tpu.dma_semaphore, #tpu.memory_space<semaphore_mem>>)
    %dma_start3A_92 = arith.constant 0 : i32
    %dma_start3A_93 = tpu.memref_slice %arg9[%add3A_63, %dma_start3A_92] : memref<64x16384xf32, #tpu.memory_space<hbm>> -> memref<1x16384xf32, #tpu.memory_space<hbm>>
    %dma_start3A_94 = tpu.memref_squeeze %dma_start3A_93 : memref<1x16384xf32, #tpu.memory_space<hbm>> -> memref<16384xf32, #tpu.memory_space<hbm>>
    %dma_start3A_95 = arith.constant 0 : i32
    %dma_start3A_96 = tpu.memref_slice %arg9[%add3A_63, %dma_start3A_95] : memref<64x16384xf32, #tpu.memory_space<hbm>> -> memref<1x16384xf32, #tpu.memory_space<hbm>>
    %dma_start3A_97 = tpu.memref_squeeze %dma_start3A_96 : memref<1x16384xf32, #tpu.memory_space<hbm>> -> memref<16384xf32, #tpu.memory_space<hbm>>
    tpu.enqueue_dma source(%arg15 : memref<16384xf32, #tpu.memory_space<vmem>>) target(%dma_start3A_97 : memref<16384xf32, #tpu.memory_space<hbm>>) target_semaphore(%arg23 : memref<!tpu.dma_semaphore, #tpu.memory_space<semaphore_mem>>)
    %mul3A_98 = arith.constant 2 : i32
    %mul3A_99 = arith.muli %add3A, %mul3A_98 : i32
    %add3A_100 = arith.constant 0 : i32
    %add3A_101 = arith.addi %mul3A_99, %add3A_100 : i32
    %dma_wait3A_102 = arith.constant 0 : i32
    %dma_wait3A_103 = tpu.memref_slice %arg9[%add3A_63, %dma_wait3A_102] : memref<64x16384xf32, #tpu.memory_space<hbm>> -> memref<1x16384xf32, #tpu.memory_space<hbm>>
    %dma_wait3A_104 = tpu.memref_squeeze %dma_wait3A_103 : memref<1x16384xf32, #tpu.memory_space<hbm>> -> memref<16384xf32, #tpu.memory_space<hbm>>
    %dma_wait3A_105 = arith.constant 0 : i32
    %dma_wait3A_106 = tpu.memref_slice %arg9[%add3A_63, %dma_wait3A_105] : memref<64x16384xf32, #tpu.memory_space<hbm>> -> memref<1x16384xf32, #tpu.memory_space<hbm>>
    %dma_wait3A_107 = tpu.memref_squeeze %dma_wait3A_106 : memref<1x16384xf32, #tpu.memory_space<hbm>> -> memref<16384xf32, #tpu.memory_space<hbm>>
    tpu.wait_dma2 semaphore(%arg23 : memref<!tpu.dma_semaphore, #tpu.memory_space<semaphore_mem>>) src(%arg15 : memref<16384xf32, #tpu.memory_space<vmem>>) dst(%dma_wait3A_107 : memref<16384xf32, #tpu.memory_space<hbm>>)
    tpu.enqueue_dma source(%arg6 : memref<16384xf32, #tpu.memory_space<hbm>>) target(%arg15 : memref<16384xf32, #tpu.memory_space<vmem>>) target_semaphore(%arg22 : memref<!tpu.dma_semaphore, #tpu.memory_space<semaphore_mem>>)
    tpu.wait_dma2 semaphore(%arg22 : memref<!tpu.dma_semaphore, #tpu.memory_space<semaphore_mem>>) src(%arg6 : memref<16384xf32, #tpu.memory_space<hbm>>) dst(%arg15 : memref<16384xf32, #tpu.memory_space<vmem>>)
    %dma_wait3A_108 = arith.constant 0 : i32
    %dma_wait3A_109 = tpu.memref_slice %arg3[%add3A_85, %dma_wait3A_108] : memref<64x100000xf32, #tpu.memory_space<hbm>> -> memref<1x100000xf32, #tpu.memory_space<hbm>>
    %dma_wait3A_110 = tpu.memref_squeeze %dma_wait3A_109 : memref<1x100000xf32, #tpu.memory_space<hbm>> -> memref<100000xf32, #tpu.memory_space<hbm>>
    %dma_wait3A_111 = arith.constant 0 : i32
    %dma_wait3A_112 = tpu.memref_slice %arg3[%add3A_85, %dma_wait3A_111] : memref<64x100000xf32, #tpu.memory_space<hbm>> -> memref<1x100000xf32, #tpu.memory_space<hbm>>
    %dma_wait3A_113 = tpu.memref_squeeze %dma_wait3A_112 : memref<1x100000xf32, #tpu.memory_space<hbm>> -> memref<100000xf32, #tpu.memory_space<hbm>>
    tpu.wait_dma2 semaphore(%arg21 : memref<!tpu.dma_semaphore, #tpu.memory_space<semaphore_mem>>) src(%dma_wait3A_113 : memref<100000xf32, #tpu.memory_space<hbm>>) dst(%arg14 : memref<100000xf32, #tpu.memory_space<vmem>>)
    %scan3A_114 = arith.constant 0 : i32
    %scan3A_115 = arith.constant 0 : i32
    %scan3A_116 = arith.constant 1024 : i32
    %scan3A_117 = arith.addi %scan3A_115, %scan3A_116 : i32
    %scan3A_118 = arith.constant 16 : i32
    scf.for %scan3A_266 = %scan3A_115 to %scan3A_117 step %scan3A_118  : i32 {
      %mul3A_267 = arith.constant 16 : i32
      %mul3A_268 = arith.muli %scan3A_266, %mul3A_267 : i32
      %multiple_of3A = tpu.assume_multiple %mul3A_268, 16 : i32
      %get3A_269 = arith.index_cast %multiple_of3A : i32 to index
      %get3A_270 = tpu.vector_load %arg15[%get3A_269] {strides = array<i32>} : memref<16384xf32, #tpu.memory_space<vmem>>, vector<16xf32>,
      %bitcast_convert_type3A = tpu.bitcast %get3A_270 : vector<16xf32> -> vector<16xi32>
      %gather3A_271 = tpu.vector_load_idx %arg14[%bitcast_convert_type3A] : memref<100000xf32, #tpu.memory_space<vmem>>[vector<16xi32>], vector<16xf32>,
      %swap3A_272 = arith.index_cast %multiple_of3A : i32 to index
      %swap3A_273 = tpu.vector_load %arg15[%swap3A_272] {strides = array<i32>} : memref<16384xf32, #tpu.memory_space<vmem>>, vector<16xf32>,
      tpu.vector_store %arg15[%swap3A_272], %gather3A_271 {strides = array<i32>} : memref<16384xf32, #tpu.memory_space<vmem>>, vector<16xf32>,
      %scan3A_274 = arith.constant 1 : i32
      %scan3A_275 = arith.addi %scan3A_266, %scan3A_274 : i32
      %mul3A_276 = arith.constant 16 : i32
      %mul3A_277 = arith.muli %scan3A_275, %mul3A_276 : i32
      %multiple_of3A_278 = tpu.assume_multiple %mul3A_277, 16 : i32
      %get3A_279 = arith.index_cast %multiple_of3A_278 : i32 to index
      %get3A_280 = tpu.vector_load %arg15[%get3A_279] {strides = array<i32>} : memref<16384xf32, #tpu.memory_space<vmem>>, vector<16xf32>,
      %bitcast_convert_type3A_281 = tpu.bitcast %get3A_280 : vector<16xf32> -> vector<16xi32>
      %gather3A_282 = tpu.vector_load_idx %arg14[%bitcast_convert_type3A_281] : memref<100000xf32, #tpu.memory_space<vmem>>[vector<16xi32>], vector<16xf32>,
      %swap3A_283 = arith.index_cast %multiple_of3A_278 : i32 to index
      %swap3A_284 = tpu.vector_load %arg15[%swap3A_283] {strides = array<i32>} : memref<16384xf32, #tpu.memory_space<vmem>>, vector<16xf32>,
      tpu.vector_store %arg15[%swap3A_283], %gather3A_282 {strides = array<i32>} : memref<16384xf32, #tpu.memory_space<vmem>>, vector<16xf32>,
      %scan3A_285 = arith.constant 2 : i32
      %scan3A_286 = arith.addi %scan3A_266, %scan3A_285 : i32
      %mul3A_287 = arith.constant 16 : i32
      %mul3A_288 = arith.muli %scan3A_286, %mul3A_287 : i32
      %multiple_of3A_289 = tpu.assume_multiple %mul3A_288, 16 : i32
      %get3A_290 = arith.index_cast %multiple_of3A_289 : i32 to index
      %get3A_291 = tpu.vector_load %arg15[%get3A_290] {strides = array<i32>} : memref<16384xf32, #tpu.memory_space<vmem>>, vector<16xf32>,
      %bitcast_convert_type3A_292 = tpu.bitcast %get3A_291 : vector<16xf32> -> vector<16xi32>
      %gather3A_293 = tpu.vector_load_idx %arg14[%bitcast_convert_type3A_292] : memref<100000xf32, #tpu.memory_space<vmem>>[vector<16xi32>], vector<16xf32>,
      %swap3A_294 = arith.index_cast %multiple_of3A_289 : i32 to index
      %swap3A_295 = tpu.vector_load %arg15[%swap3A_294] {strides = array<i32>} : memref<16384xf32, #tpu.memory_space<vmem>>, vector<16xf32>,
      tpu.vector_store %arg15[%swap3A_294], %gather3A_293 {strides = array<i32>} : memref<16384xf32, #tpu.memory_space<vmem>>, vector<16xf32>,
      %scan3A_296 = arith.constant 3 : i32
      %scan3A_297 = arith.addi %scan3A_266, %scan3A_296 : i32
      %mul3A_298 = arith.constant 16 : i32
      %mul3A_299 = arith.muli %scan3A_297, %mul3A_298 : i32
      %multiple_of3A_300 = tpu.assume_multiple %mul3A_299, 16 : i32
      %get3A_301 = arith.index_cast %multiple_of3A_300 : i32 to index
      %get3A_302 = tpu.vector_load %arg15[%get3A_301] {strides = array<i32>} : memref<16384xf32, #tpu.memory_space<vmem>>, vector<16xf32>,
      %bitcast_convert_type3A_303 = tpu.bitcast %get3A_302 : vector<16xf32> -> vector<16xi32>
      %gather3A_304 = tpu.vector_load_idx %arg14[%bitcast_convert_type3A_303] : memref<100000xf32, #tpu.memory_space<vmem>>[vector<16xi32>], vector<16xf32>,
      %swap3A_305 = arith.index_cast %multiple_of3A_300 : i32 to index
      %swap3A_306 = tpu.vector_load %arg15[%swap3A_305] {strides = array<i32>} : memref<16384xf32, #tpu.memory_space<vmem>>, vector<16xf32>,
      tpu.vector_store %arg15[%swap3A_305], %gather3A_304 {strides = array<i32>} : memref<16384xf32, #tpu.memory_space<vmem>>, vector<16xf32>,
      %scan3A_307 = arith.constant 4 : i32
      %scan3A_308 = arith.addi %scan3A_266, %scan3A_307 : i32
      %mul3A_309 = arith.constant 16 : i32
      %mul3A_310 = arith.muli %scan3A_308, %mul3A_309 : i32
      %multiple_of3A_311 = tpu.assume_multiple %mul3A_310, 16 : i32
      %get3A_312 = arith.index_cast %multiple_of3A_311 : i32 to index
      %get3A_313 = tpu.vector_load %arg15[%get3A_312] {strides = array<i32>} : memref<16384xf32, #tpu.memory_space<vmem>>, vector<16xf32>,
      %bitcast_convert_type3A_314 = tpu.bitcast %get3A_313 : vector<16xf32> -> vector<16xi32>
      %gather3A_315 = tpu.vector_load_idx %arg14[%bitcast_convert_type3A_314] : memref<100000xf32, #tpu.memory_space<vmem>>[vector<16xi32>], vector<16xf32>,
      %swap3A_316 = arith.index_cast %multiple_of3A_311 : i32 to index
      %swap3A_317 = tpu.vector_load %arg15[%swap3A_316] {strides = array<i32>} : memref<16384xf32, #tpu.memory_space<vmem>>, vector<16xf32>,
      tpu.vector_store %arg15[%swap3A_316], %gather3A_315 {strides = array<i32>} : memref<16384xf32, #tpu.memory_space<vmem>>, vector<16xf32>,
      %scan3A_318 = arith.constant 5 : i32
      %scan3A_319 = arith.addi %scan3A_266, %scan3A_318 : i32
      %mul3A_320 = arith.constant 16 : i32
      %mul3A_321 = arith.muli %scan3A_319, %mul3A_320 : i32
      %multiple_of3A_322 = tpu.assume_multiple %mul3A_321, 16 : i32
      %get3A_323 = arith.index_cast %multiple_of3A_322 : i32 to index
      %get3A_324 = tpu.vector_load %arg15[%get3A_323] {strides = array<i32>} : memref<16384xf32, #tpu.memory_space<vmem>>, vector<16xf32>,
      %bitcast_convert_type3A_325 = tpu.bitcast %get3A_324 : vector<16xf32> -> vector<16xi32>
      %gather3A_326 = tpu.vector_load_idx %arg14[%bitcast_convert_type3A_325] : memref<100000xf32, #tpu.memory_space<vmem>>[vector<16xi32>], vector<16xf32>,
      %swap3A_327 = arith.index_cast %multiple_of3A_322 : i32 to index
      %swap3A_328 = tpu.vector_load %arg15[%swap3A_327] {strides = array<i32>} : memref<16384xf32, #tpu.memory_space<vmem>>, vector<16xf32>,
      tpu.vector_store %arg15[%swap3A_327], %gather3A_326 {strides = array<i32>} : memref<16384xf32, #tpu.memory_space<vmem>>, vector<16xf32>,
      %scan3A_329 = arith.constant 6 : i32
      %scan3A_330 = arith.addi %scan3A_266, %scan3A_329 : i32
      %mul3A_331 = arith.constant 16 : i32
      %mul3A_332 = arith.muli %scan3A_330, %mul3A_331 : i32
      %multiple_of3A_333 = tpu.assume_multiple %mul3A_332, 16 : i32
      %get3A_334 = arith.index_cast %multiple_of3A_333 : i32 to index
      %get3A_335 = tpu.vector_load %arg15[%get3A_334] {strides = array<i32>} : memref<16384xf32, #tpu.memory_space<vmem>>, vector<16xf32>,
      %bitcast_convert_type3A_336 = tpu.bitcast %get3A_335 : vector<16xf32> -> vector<16xi32>
      %gather3A_337 = tpu.vector_load_idx %arg14[%bitcast_convert_type3A_336] : memref<100000xf32, #tpu.memory_space<vmem>>[vector<16xi32>], vector<16xf32>,
      %swap3A_338 = arith.index_cast %multiple_of3A_333 : i32 to index
      %swap3A_339 = tpu.vector_load %arg15[%swap3A_338] {strides = array<i32>} : memref<16384xf32, #tpu.memory_space<vmem>>, vector<16xf32>,
      tpu.vector_store %arg15[%swap3A_338], %gather3A_337 {strides = array<i32>} : memref<16384xf32, #tpu.memory_space<vmem>>, vector<16xf32>,
      %scan3A_340 = arith.constant 7 : i32
      %scan3A_341 = arith.addi %scan3A_266, %scan3A_340 : i32
      %mul3A_342 = arith.constant 16 : i32
      %mul3A_343 = arith.muli %scan3A_341, %mul3A_342 : i32
      %multiple_of3A_344 = tpu.assume_multiple %mul3A_343, 16 : i32
      %get3A_345 = arith.index_cast %multiple_of3A_344 : i32 to index
      %get3A_346 = tpu.vector_load %arg15[%get3A_345] {strides = array<i32>} : memref<16384xf32, #tpu.memory_space<vmem>>, vector<16xf32>,
      %bitcast_convert_type3A_347 = tpu.bitcast %get3A_346 : vector<16xf32> -> vector<16xi32>
      %gather3A_348 = tpu.vector_load_idx %arg14[%bitcast_convert_type3A_347] : memref<100000xf32, #tpu.memory_space<vmem>>[vector<16xi32>], vector<16xf32>,
      %swap3A_349 = arith.index_cast %multiple_of3A_344 : i32 to index
      %swap3A_350 = tpu.vector_load %arg15[%swap3A_349] {strides = array<i32>} : memref<16384xf32, #tpu.memory_space<vmem>>, vector<16xf32>,
      tpu.vector_store %arg15[%swap3A_349], %gather3A_348 {strides = array<i32>} : memref<16384xf32, #tpu.memory_space<vmem>>, vector<16xf32>,
      %scan3A_351 = arith.constant 8 : i32
      %scan3A_352 = arith.addi %scan3A_266, %scan3A_351 : i32
      %mul3A_353 = arith.constant 16 : i32
      %mul3A_354 = arith.muli %scan3A_352, %mul3A_353 : i32
      %multiple_of3A_355 = tpu.assume_multiple %mul3A_354, 16 : i32
      %get3A_356 = arith.index_cast %multiple_of3A_355 : i32 to index
      %get3A_357 = tpu.vector_load %arg15[%get3A_356] {strides = array<i32>} : memref<16384xf32, #tpu.memory_space<vmem>>, vector<16xf32>,
      %bitcast_convert_type3A_358 = tpu.bitcast %get3A_357 : vector<16xf32> -> vector<16xi32>
      %gather3A_359 = tpu.vector_load_idx %arg14[%bitcast_convert_type3A_358] : memref<100000xf32, #tpu.memory_space<vmem>>[vector<16xi32>], vector<16xf32>,
      %swap3A_360 = arith.index_cast %multiple_of3A_355 : i32 to index
      %swap3A_361 = tpu.vector_load %arg15[%swap3A_360] {strides = array<i32>} : memref<16384xf32, #tpu.memory_space<vmem>>, vector<16xf32>,
      tpu.vector_store %arg15[%swap3A_360], %gather3A_359 {strides = array<i32>} : memref<16384xf32, #tpu.memory_space<vmem>>, vector<16xf32>,
      %scan3A_362 = arith.constant 9 : i32
      %scan3A_363 = arith.addi %scan3A_266, %scan3A_362 : i32
      %mul3A_364 = arith.constant 16 : i32
      %mul3A_365 = arith.muli %scan3A_363, %mul3A_364 : i32
      %multiple_of3A_366 = tpu.assume_multiple %mul3A_365, 16 : i32
      %get3A_367 = arith.index_cast %multiple_of3A_366 : i32 to index
      %get3A_368 = tpu.vector_load %arg15[%get3A_367] {strides = array<i32>} : memref<16384xf32, #tpu.memory_space<vmem>>, vector<16xf32>,
      %bitcast_convert_type3A_369 = tpu.bitcast %get3A_368 : vector<16xf32> -> vector<16xi32>
      %gather3A_370 = tpu.vector_load_idx %arg14[%bitcast_convert_type3A_369] : memref<100000xf32, #tpu.memory_space<vmem>>[vector<16xi32>], vector<16xf32>,
      %swap3A_371 = arith.index_cast %multiple_of3A_366 : i32 to index
      %swap3A_372 = tpu.vector_load %arg15[%swap3A_371] {strides = array<i32>} : memref<16384xf32, #tpu.memory_space<vmem>>, vector<16xf32>,
      tpu.vector_store %arg15[%swap3A_371], %gather3A_370 {strides = array<i32>} : memref<16384xf32, #tpu.memory_space<vmem>>, vector<16xf32>,
      %scan3A_373 = arith.constant 10 : i32
      %scan3A_374 = arith.addi %scan3A_266, %scan3A_373 : i32
      %mul3A_375 = arith.constant 16 : i32
      %mul3A_376 = arith.muli %scan3A_374, %mul3A_375 : i32
      %multiple_of3A_377 = tpu.assume_multiple %mul3A_376, 16 : i32
      %get3A_378 = arith.index_cast %multiple_of3A_377 : i32 to index
      %get3A_379 = tpu.vector_load %arg15[%get3A_378] {strides = array<i32>} : memref<16384xf32, #tpu.memory_space<vmem>>, vector<16xf32>,
      %bitcast_convert_type3A_380 = tpu.bitcast %get3A_379 : vector<16xf32> -> vector<16xi32>
      %gather3A_381 = tpu.vector_load_idx %arg14[%bitcast_convert_type3A_380] : memref<100000xf32, #tpu.memory_space<vmem>>[vector<16xi32>], vector<16xf32>,
      %swap3A_382 = arith.index_cast %multiple_of3A_377 : i32 to index
      %swap3A_383 = tpu.vector_load %arg15[%swap3A_382] {strides = array<i32>} : memref<16384xf32, #tpu.memory_space<vmem>>, vector<16xf32>,
      tpu.vector_store %arg15[%swap3A_382], %gather3A_381 {strides = array<i32>} : memref<16384xf32, #tpu.memory_space<vmem>>, vector<16xf32>,
      %scan3A_384 = arith.constant 11 : i32
      %scan3A_385 = arith.addi %scan3A_266, %scan3A_384 : i32
      %mul3A_386 = arith.constant 16 : i32
      %mul3A_387 = arith.muli %scan3A_385, %mul3A_386 : i32
      %multiple_of3A_388 = tpu.assume_multiple %mul3A_387, 16 : i32
      %get3A_389 = arith.index_cast %multiple_of3A_388 : i32 to index
      %get3A_390 = tpu.vector_load %arg15[%get3A_389] {strides = array<i32>} : memref<16384xf32, #tpu.memory_space<vmem>>, vector<16xf32>,
      %bitcast_convert_type3A_391 = tpu.bitcast %get3A_390 : vector<16xf32> -> vector<16xi32>
      %gather3A_392 = tpu.vector_load_idx %arg14[%bitcast_convert_type3A_391] : memref<100000xf32, #tpu.memory_space<vmem>>[vector<16xi32>], vector<16xf32>,
      %swap3A_393 = arith.index_cast %multiple_of3A_388 : i32 to index
      %swap3A_394 = tpu.vector_load %arg15[%swap3A_393] {strides = array<i32>} : memref<16384xf32, #tpu.memory_space<vmem>>, vector<16xf32>,
      tpu.vector_store %arg15[%swap3A_393], %gather3A_392 {strides = array<i32>} : memref<16384xf32, #tpu.memory_space<vmem>>, vector<16xf32>,
      %scan3A_395 = arith.constant 12 : i32
      %scan3A_396 = arith.addi %scan3A_266, %scan3A_395 : i32
      %mul3A_397 = arith.constant 16 : i32
      %mul3A_398 = arith.muli %scan3A_396, %mul3A_397 : i32
      %multiple_of3A_399 = tpu.assume_multiple %mul3A_398, 16 : i32
      %get3A_400 = arith.index_cast %multiple_of3A_399 : i32 to index
      %get3A_401 = tpu.vector_load %arg15[%get3A_400] {strides = array<i32>} : memref<16384xf32, #tpu.memory_space<vmem>>, vector<16xf32>,
      %bitcast_convert_type3A_402 = tpu.bitcast %get3A_401 : vector<16xf32> -> vector<16xi32>
      %gather3A_403 = tpu.vector_load_idx %arg14[%bitcast_convert_type3A_402] : memref<100000xf32, #tpu.memory_space<vmem>>[vector<16xi32>], vector<16xf32>,
      %swap3A_404 = arith.index_cast %multiple_of3A_399 : i32 to index
      %swap3A_405 = tpu.vector_load %arg15[%swap3A_404] {strides = array<i32>} : memref<16384xf32, #tpu.memory_space<vmem>>, vector<16xf32>,
      tpu.vector_store %arg15[%swap3A_404], %gather3A_403 {strides = array<i32>} : memref<16384xf32, #tpu.memory_space<vmem>>, vector<16xf32>,
      %scan3A_406 = arith.constant 13 : i32
      %scan3A_407 = arith.addi %scan3A_266, %scan3A_406 : i32
      %mul3A_408 = arith.constant 16 : i32
      %mul3A_409 = arith.muli %scan3A_407, %mul3A_408 : i32
      %multiple_of3A_410 = tpu.assume_multiple %mul3A_409, 16 : i32
      %get3A_411 = arith.index_cast %multiple_of3A_410 : i32 to index
      %get3A_412 = tpu.vector_load %arg15[%get3A_411] {strides = array<i32>} : memref<16384xf32, #tpu.memory_space<vmem>>, vector<16xf32>,
      %bitcast_convert_type3A_413 = tpu.bitcast %get3A_412 : vector<16xf32> -> vector<16xi32>
      %gather3A_414 = tpu.vector_load_idx %arg14[%bitcast_convert_type3A_413] : memref<100000xf32, #tpu.memory_space<vmem>>[vector<16xi32>], vector<16xf32>,
      %swap3A_415 = arith.index_cast %multiple_of3A_410 : i32 to index
      %swap3A_416 = tpu.vector_load %arg15[%swap3A_415] {strides = array<i32>} : memref<16384xf32, #tpu.memory_space<vmem>>, vector<16xf32>,
      tpu.vector_store %arg15[%swap3A_415], %gather3A_414 {strides = array<i32>} : memref<16384xf32, #tpu.memory_space<vmem>>, vector<16xf32>,
      %scan3A_417 = arith.constant 14 : i32
      %scan3A_418 = arith.addi %scan3A_266, %scan3A_417 : i32
      %mul3A_419 = arith.constant 16 : i32
      %mul3A_420 = arith.muli %scan3A_418, %mul3A_419 : i32
      %multiple_of3A_421 = tpu.assume_multiple %mul3A_420, 16 : i32
      %get3A_422 = arith.index_cast %multiple_of3A_421 : i32 to index
      %get3A_423 = tpu.vector_load %arg15[%get3A_422] {strides = array<i32>} : memref<16384xf32, #tpu.memory_space<vmem>>, vector<16xf32>,
      %bitcast_convert_type3A_424 = tpu.bitcast %get3A_423 : vector<16xf32> -> vector<16xi32>
      %gather3A_425 = tpu.vector_load_idx %arg14[%bitcast_convert_type3A_424] : memref<100000xf32, #tpu.memory_space<vmem>>[vector<16xi32>], vector<16xf32>,
      %swap3A_426 = arith.index_cast %multiple_of3A_421 : i32 to index
      %swap3A_427 = tpu.vector_load %arg15[%swap3A_426] {strides = array<i32>} : memref<16384xf32, #tpu.memory_space<vmem>>, vector<16xf32>,
      tpu.vector_store %arg15[%swap3A_426], %gather3A_425 {strides = array<i32>} : memref<16384xf32, #tpu.memory_space<vmem>>, vector<16xf32>,
      %scan3A_428 = arith.constant 15 : i32
      %scan3A_429 = arith.addi %scan3A_266, %scan3A_428 : i32
      %mul3A_430 = arith.constant 16 : i32
      %mul3A_431 = arith.muli %scan3A_429, %mul3A_430 : i32
      %multiple_of3A_432 = tpu.assume_multiple %mul3A_431, 16 : i32
      %get3A_433 = arith.index_cast %multiple_of3A_432 : i32 to index
      %get3A_434 = tpu.vector_load %arg15[%get3A_433] {strides = array<i32>} : memref<16384xf32, #tpu.memory_space<vmem>>, vector<16xf32>,
      %bitcast_convert_type3A_435 = tpu.bitcast %get3A_434 : vector<16xf32> -> vector<16xi32>
      %gather3A_436 = tpu.vector_load_idx %arg14[%bitcast_convert_type3A_435] : memref<100000xf32, #tpu.memory_space<vmem>>[vector<16xi32>], vector<16xf32>,
      %swap3A_437 = arith.index_cast %multiple_of3A_432 : i32 to index
      %swap3A_438 = tpu.vector_load %arg15[%swap3A_437] {strides = array<i32>} : memref<16384xf32, #tpu.memory_space<vmem>>, vector<16xf32>,
      tpu.vector_store %arg15[%swap3A_437], %gather3A_436 {strides = array<i32>} : memref<16384xf32, #tpu.memory_space<vmem>>, vector<16xf32>,
    }
    %scan3A_119 = arith.constant 1024 : i32
    %get3A = arith.constant 0 : index
    %get3A_120 = tpu.vector_load %arg18[%get3A] {strides = array<i32>} : memref<64xi32, #tpu.memory_space<vmem>>, vector<16xi32>,
    %gather3A = tpu.vector_load_idx %arg14[%get3A_120] : memref<100000xf32, #tpu.memory_space<vmem>>[vector<16xi32>], vector<16xf32>,
    %swap3A = arith.constant 0 : i32
    %swap3A_121 = arith.constant 0 : i32
    %swap3A_122 = tpu.memref_slice %arg19[%swap3A, %swap3A_121] : memref<2x64xf32, #tpu.memory_space<vmem>> -> memref<1x64xf32, #tpu.memory_space<vmem>>
    %swap3A_123 = tpu.memref_squeeze %swap3A_122 : memref<1x64xf32, #tpu.memory_space<vmem>> -> memref<64xf32, #tpu.memory_space<vmem>>
    %swap3A_124 = arith.constant 0 : index
    %swap3A_125 = tpu.vector_load %swap3A_123[%swap3A_124] {strides = array<i32>} : memref<64xf32, #tpu.memory_space<vmem>>, vector<16xf32>,
    tpu.vector_store %swap3A_123[%swap3A_124], %gather3A {strides = array<i32>} : memref<64xf32, #tpu.memory_space<vmem>>, vector<16xf32>,
    %get3A_126 = arith.constant 16 : index
    %get3A_127 = tpu.vector_load %arg18[%get3A_126] {strides = array<i32>} : memref<64xi32, #tpu.memory_space<vmem>>, vector<16xi32>,
    %gather3A_128 = tpu.vector_load_idx %arg14[%get3A_127] : memref<100000xf32, #tpu.memory_space<vmem>>[vector<16xi32>], vector<16xf32>,
    %swap3A_129 = arith.constant 0 : i32
    %swap3A_130 = arith.constant 0 : i32
    %swap3A_131 = tpu.memref_slice %arg19[%swap3A_129, %swap3A_130] : memref<2x64xf32, #tpu.memory_space<vmem>> -> memref<1x64xf32, #tpu.memory_space<vmem>>
    %swap3A_132 = tpu.memref_squeeze %swap3A_131 : memref<1x64xf32, #tpu.memory_space<vmem>> -> memref<64xf32, #tpu.memory_space<vmem>>
    %swap3A_133 = arith.constant 16 : index
    %swap3A_134 = tpu.vector_load %swap3A_132[%swap3A_133] {strides = array<i32>} : memref<64xf32, #tpu.memory_space<vmem>>, vector<16xf32>,
    tpu.vector_store %swap3A_132[%swap3A_133], %gather3A_128 {strides = array<i32>} : memref<64xf32, #tpu.memory_space<vmem>>, vector<16xf32>,
    %get3A_135 = arith.constant 32 : index
    %get3A_136 = tpu.vector_load %arg18[%get3A_135] {strides = array<i32>} : memref<64xi32, #tpu.memory_space<vmem>>, vector<16xi32>,
    %gather3A_137 = tpu.vector_load_idx %arg14[%get3A_136] : memref<100000xf32, #tpu.memory_space<vmem>>[vector<16xi32>], vector<16xf32>,
    %swap3A_138 = arith.constant 0 : i32
    %swap3A_139 = arith.constant 0 : i32
    %swap3A_140 = tpu.memref_slice %arg19[%swap3A_138, %swap3A_139] : memref<2x64xf32, #tpu.memory_space<vmem>> -> memref<1x64xf32, #tpu.memory_space<vmem>>
    %swap3A_141 = tpu.memref_squeeze %swap3A_140 : memref<1x64xf32, #tpu.memory_space<vmem>> -> memref<64xf32, #tpu.memory_space<vmem>>
    %swap3A_142 = arith.constant 32 : index
    %swap3A_143 = tpu.vector_load %swap3A_141[%swap3A_142] {strides = array<i32>} : memref<64xf32, #tpu.memory_space<vmem>>, vector<16xf32>,
    tpu.vector_store %swap3A_141[%swap3A_142], %gather3A_137 {strides = array<i32>} : memref<64xf32, #tpu.memory_space<vmem>>, vector<16xf32>,
    %get3A_144 = arith.constant 48 : index
    %get3A_145 = tpu.vector_load %arg18[%get3A_144] {strides = array<i32>} : memref<64xi32, #tpu.memory_space<vmem>>, vector<16xi32>,
    %gather3A_146 = tpu.vector_load_idx %arg14[%get3A_145] : memref<100000xf32, #tpu.memory_space<vmem>>[vector<16xi32>], vector<16xf32>,
    %swap3A_147 = arith.constant 0 : i32
    %swap3A_148 = arith.constant 0 : i32
    %swap3A_149 = tpu.memref_slice %arg19[%swap3A_147, %swap3A_148] : memref<2x64xf32, #tpu.memory_space<vmem>> -> memref<1x64xf32, #tpu.memory_space<vmem>>
    %swap3A_150 = tpu.memref_squeeze %swap3A_149 : memref<1x64xf32, #tpu.memory_space<vmem>> -> memref<64xf32, #tpu.memory_space<vmem>>
    %swap3A_151 = arith.constant 48 : index
    %swap3A_152 = tpu.vector_load %swap3A_150[%swap3A_151] {strides = array<i32>} : memref<64xf32, #tpu.memory_space<vmem>>, vector<16xf32>,
    tpu.vector_store %swap3A_150[%swap3A_151], %gather3A_146 {strides = array<i32>} : memref<64xf32, #tpu.memory_space<vmem>>, vector<16xf32>,
    %mul3A_153 = arith.constant 2 : i32
    %mul3A_154 = arith.muli %add3A, %mul3A_153 : i32
    %add3A_155 = arith.constant 1 : i32
    %add3A_156 = arith.addi %mul3A_154, %add3A_155 : i32
    %dma_start3A_157 = arith.constant 0 : i32
    %dma_start3A_158 = tpu.memref_slice %arg3[%add3A_156, %dma_start3A_157] : memref<64x100000xf32, #tpu.memory_space<hbm>> -> memref<1x100000xf32, #tpu.memory_space<hbm>>
    %dma_start3A_159 = tpu.memref_squeeze %dma_start3A_158 : memref<1x100000xf32, #tpu.memory_space<hbm>> -> memref<100000xf32, #tpu.memory_space<hbm>>
    %dma_start3A_160 = arith.constant 0 : i32
    %dma_start3A_161 = tpu.memref_slice %arg3[%add3A_156, %dma_start3A_160] : memref<64x100000xf32, #tpu.memory_space<hbm>> -> memref<1x100000xf32, #tpu.memory_space<hbm>>
    %dma_start3A_162 = tpu.memref_squeeze %dma_start3A_161 : memref<1x100000xf32, #tpu.memory_space<hbm>> -> memref<100000xf32, #tpu.memory_space<hbm>>
    tpu.enqueue_dma source(%dma_start3A_162 : memref<100000xf32, #tpu.memory_space<hbm>>) target(%arg14 : memref<100000xf32, #tpu.memory_space<vmem>>) target_semaphore(%arg21 : memref<!tpu.dma_semaphore, #tpu.memory_space<semaphore_mem>>)
    %dma_start3A_163 = arith.constant 0 : i32
    %dma_start3A_164 = tpu.memref_slice %arg10[%add3A_101, %dma_start3A_163] : memref<64x16384xf32, #tpu.memory_space<hbm>> -> memref<1x16384xf32, #tpu.memory_space<hbm>>
    %dma_start3A_165 = tpu.memref_squeeze %dma_start3A_164 : memref<1x16384xf32, #tpu.memory_space<hbm>> -> memref<16384xf32, #tpu.memory_space<hbm>>
    %dma_start3A_166 = arith.constant 0 : i32
    %dma_start3A_167 = tpu.memref_slice %arg10[%add3A_101, %dma_start3A_166] : memref<64x16384xf32, #tpu.memory_space<hbm>> -> memref<1x16384xf32, #tpu.memory_space<hbm>>
    %dma_start3A_168 = tpu.memref_squeeze %dma_start3A_167 : memref<1x16384xf32, #tpu.memory_space<hbm>> -> memref<16384xf32, #tpu.memory_space<hbm>>
    tpu.enqueue_dma source(%arg15 : memref<16384xf32, #tpu.memory_space<vmem>>) target(%dma_start3A_168 : memref<16384xf32, #tpu.memory_space<hbm>>) target_semaphore(%arg23 : memref<!tpu.dma_semaphore, #tpu.memory_space<semaphore_mem>>)
    %mul3A_169 = arith.constant 2 : i32
    %mul3A_170 = arith.muli %add3A, %mul3A_169 : i32
    %add3A_171 = arith.constant 1 : i32
    %add3A_172 = arith.addi %mul3A_170, %add3A_171 : i32
    %dma_wait3A_173 = arith.constant 0 : i32
    %dma_wait3A_174 = tpu.memref_slice %arg10[%add3A_101, %dma_wait3A_173] : memref<64x16384xf32, #tpu.memory_space<hbm>> -> memref<1x16384xf32, #tpu.memory_space<hbm>>
    %dma_wait3A_175 = tpu.memref_squeeze %dma_wait3A_174 : memref<1x16384xf32, #tpu.memory_space<hbm>> -> memref<16384xf32, #tpu.memory_space<hbm>>
    %dma_wait3A_176 = arith.constant 0 : i32
    %dma_wait3A_177 = tpu.memref_slice %arg10[%add3A_101, %dma_wait3A_176] : memref<64x16384xf32, #tpu.memory_space<hbm>> -> memref<1x16384xf32, #tpu.memory_space<hbm>>
    %dma_wait3A_178 = tpu.memref_squeeze %dma_wait3A_177 : memref<1x16384xf32, #tpu.memory_space<hbm>> -> memref<16384xf32, #tpu.memory_space<hbm>>
    tpu.wait_dma2 semaphore(%arg23 : memref<!tpu.dma_semaphore, #tpu.memory_space<semaphore_mem>>) src(%arg15 : memref<16384xf32, #tpu.memory_space<vmem>>) dst(%dma_wait3A_178 : memref<16384xf32, #tpu.memory_space<hbm>>)
    tpu.enqueue_dma source(%arg6 : memref<16384xf32, #tpu.memory_space<hbm>>) target(%arg15 : memref<16384xf32, #tpu.memory_space<vmem>>) target_semaphore(%arg22 : memref<!tpu.dma_semaphore, #tpu.memory_space<semaphore_mem>>)
    tpu.wait_dma2 semaphore(%arg22 : memref<!tpu.dma_semaphore, #tpu.memory_space<semaphore_mem>>) src(%arg6 : memref<16384xf32, #tpu.memory_space<hbm>>) dst(%arg15 : memref<16384xf32, #tpu.memory_space<vmem>>)
    %dma_wait3A_179 = arith.constant 0 : i32
    %dma_wait3A_180 = tpu.memref_slice %arg3[%add3A_156, %dma_wait3A_179] : memref<64x100000xf32, #tpu.memory_space<hbm>> -> memref<1x100000xf32, #tpu.memory_space<hbm>>
    %dma_wait3A_181 = tpu.memref_squeeze %dma_wait3A_180 : memref<1x100000xf32, #tpu.memory_space<hbm>> -> memref<100000xf32, #tpu.memory_space<hbm>>
    %dma_wait3A_182 = arith.constant 0 : i32
    %dma_wait3A_183 = tpu.memref_slice %arg3[%add3A_156, %dma_wait3A_182] : memref<64x100000xf32, #tpu.memory_space<hbm>> -> memref<1x100000xf32, #tpu.memory_space<hbm>>
    %dma_wait3A_184 = tpu.memref_squeeze %dma_wait3A_183 : memref<1x100000xf32, #tpu.memory_space<hbm>> -> memref<100000xf32, #tpu.memory_space<hbm>>
    tpu.wait_dma2 semaphore(%arg21 : memref<!tpu.dma_semaphore, #tpu.memory_space<semaphore_mem>>) src(%dma_wait3A_184 : memref<100000xf32, #tpu.memory_space<hbm>>) dst(%arg14 : memref<100000xf32, #tpu.memory_space<vmem>>)
    %scan3A_185 = arith.constant 0 : i32
    %scan3A_186 = arith.constant 0 : i32
    %scan3A_187 = arith.constant 1024 : i32
    %scan3A_188 = arith.addi %scan3A_186, %scan3A_187 : i32
    %scan3A_189 = arith.constant 16 : i32
    scf.for %scan3A_266 = %scan3A_186 to %scan3A_188 step %scan3A_189  : i32 {
      %mul3A_267 = arith.constant 16 : i32
      %mul3A_268 = arith.muli %scan3A_266, %mul3A_267 : i32
      %multiple_of3A = tpu.assume_multiple %mul3A_268, 16 : i32
      %get3A_269 = arith.index_cast %multiple_of3A : i32 to index
      %get3A_270 = tpu.vector_load %arg15[%get3A_269] {strides = array<i32>} : memref<16384xf32, #tpu.memory_space<vmem>>, vector<16xf32>,
      %bitcast_convert_type3A = tpu.bitcast %get3A_270 : vector<16xf32> -> vector<16xi32>
      %gather3A_271 = tpu.vector_load_idx %arg14[%bitcast_convert_type3A] : memref<100000xf32, #tpu.memory_space<vmem>>[vector<16xi32>], vector<16xf32>,
      %swap3A_272 = arith.index_cast %multiple_of3A : i32 to index
      %swap3A_273 = tpu.vector_load %arg15[%swap3A_272] {strides = array<i32>} : memref<16384xf32, #tpu.memory_space<vmem>>, vector<16xf32>,
      tpu.vector_store %arg15[%swap3A_272], %gather3A_271 {strides = array<i32>} : memref<16384xf32, #tpu.memory_space<vmem>>, vector<16xf32>,
      %scan3A_274 = arith.constant 1 : i32
      %scan3A_275 = arith.addi %scan3A_266, %scan3A_274 : i32
      %mul3A_276 = arith.constant 16 : i32
      %mul3A_277 = arith.muli %scan3A_275, %mul3A_276 : i32
      %multiple_of3A_278 = tpu.assume_multiple %mul3A_277, 16 : i32
      %get3A_279 = arith.index_cast %multiple_of3A_278 : i32 to index
      %get3A_280 = tpu.vector_load %arg15[%get3A_279] {strides = array<i32>} : memref<16384xf32, #tpu.memory_space<vmem>>, vector<16xf32>,
      %bitcast_convert_type3A_281 = tpu.bitcast %get3A_280 : vector<16xf32> -> vector<16xi32>
      %gather3A_282 = tpu.vector_load_idx %arg14[%bitcast_convert_type3A_281] : memref<100000xf32, #tpu.memory_space<vmem>>[vector<16xi32>], vector<16xf32>,
      %swap3A_283 = arith.index_cast %multiple_of3A_278 : i32 to index
      %swap3A_284 = tpu.vector_load %arg15[%swap3A_283] {strides = array<i32>} : memref<16384xf32, #tpu.memory_space<vmem>>, vector<16xf32>,
      tpu.vector_store %arg15[%swap3A_283], %gather3A_282 {strides = array<i32>} : memref<16384xf32, #tpu.memory_space<vmem>>, vector<16xf32>,
      %scan3A_285 = arith.constant 2 : i32
      %scan3A_286 = arith.addi %scan3A_266, %scan3A_285 : i32
      %mul3A_287 = arith.constant 16 : i32
      %mul3A_288 = arith.muli %scan3A_286, %mul3A_287 : i32
      %multiple_of3A_289 = tpu.assume_multiple %mul3A_288, 16 : i32
      %get3A_290 = arith.index_cast %multiple_of3A_289 : i32 to index
      %get3A_291 = tpu.vector_load %arg15[%get3A_290] {strides = array<i32>} : memref<16384xf32, #tpu.memory_space<vmem>>, vector<16xf32>,
      %bitcast_convert_type3A_292 = tpu.bitcast %get3A_291 : vector<16xf32> -> vector<16xi32>
      %gather3A_293 = tpu.vector_load_idx %arg14[%bitcast_convert_type3A_292] : memref<100000xf32, #tpu.memory_space<vmem>>[vector<16xi32>], vector<16xf32>,
      %swap3A_294 = arith.index_cast %multiple_of3A_289 : i32 to index
      %swap3A_295 = tpu.vector_load %arg15[%swap3A_294] {strides = array<i32>} : memref<16384xf32, #tpu.memory_space<vmem>>, vector<16xf32>,
      tpu.vector_store %arg15[%swap3A_294], %gather3A_293 {strides = array<i32>} : memref<16384xf32, #tpu.memory_space<vmem>>, vector<16xf32>,
      %scan3A_296 = arith.constant 3 : i32
      %scan3A_297 = arith.addi %scan3A_266, %scan3A_296 : i32
      %mul3A_298 = arith.constant 16 : i32
      %mul3A_299 = arith.muli %scan3A_297, %mul3A_298 : i32
      %multiple_of3A_300 = tpu.assume_multiple %mul3A_299, 16 : i32
      %get3A_301 = arith.index_cast %multiple_of3A_300 : i32 to index
      %get3A_302 = tpu.vector_load %arg15[%get3A_301] {strides = array<i32>} : memref<16384xf32, #tpu.memory_space<vmem>>, vector<16xf32>,
      %bitcast_convert_type3A_303 = tpu.bitcast %get3A_302 : vector<16xf32> -> vector<16xi32>
      %gather3A_304 = tpu.vector_load_idx %arg14[%bitcast_convert_type3A_303] : memref<100000xf32, #tpu.memory_space<vmem>>[vector<16xi32>], vector<16xf32>,
      %swap3A_305 = arith.index_cast %multiple_of3A_300 : i32 to index
      %swap3A_306 = tpu.vector_load %arg15[%swap3A_305] {strides = array<i32>} : memref<16384xf32, #tpu.memory_space<vmem>>, vector<16xf32>,
      tpu.vector_store %arg15[%swap3A_305], %gather3A_304 {strides = array<i32>} : memref<16384xf32, #tpu.memory_space<vmem>>, vector<16xf32>,
      %scan3A_307 = arith.constant 4 : i32
      %scan3A_308 = arith.addi %scan3A_266, %scan3A_307 : i32
      %mul3A_309 = arith.constant 16 : i32
      %mul3A_310 = arith.muli %scan3A_308, %mul3A_309 : i32
      %multiple_of3A_311 = tpu.assume_multiple %mul3A_310, 16 : i32
      %get3A_312 = arith.index_cast %multiple_of3A_311 : i32 to index
      %get3A_313 = tpu.vector_load %arg15[%get3A_312] {strides = array<i32>} : memref<16384xf32, #tpu.memory_space<vmem>>, vector<16xf32>,
      %bitcast_convert_type3A_314 = tpu.bitcast %get3A_313 : vector<16xf32> -> vector<16xi32>
      %gather3A_315 = tpu.vector_load_idx %arg14[%bitcast_convert_type3A_314] : memref<100000xf32, #tpu.memory_space<vmem>>[vector<16xi32>], vector<16xf32>,
      %swap3A_316 = arith.index_cast %multiple_of3A_311 : i32 to index
      %swap3A_317 = tpu.vector_load %arg15[%swap3A_316] {strides = array<i32>} : memref<16384xf32, #tpu.memory_space<vmem>>, vector<16xf32>,
      tpu.vector_store %arg15[%swap3A_316], %gather3A_315 {strides = array<i32>} : memref<16384xf32, #tpu.memory_space<vmem>>, vector<16xf32>,
      %scan3A_318 = arith.constant 5 : i32
      %scan3A_319 = arith.addi %scan3A_266, %scan3A_318 : i32
      %mul3A_320 = arith.constant 16 : i32
      %mul3A_321 = arith.muli %scan3A_319, %mul3A_320 : i32
      %multiple_of3A_322 = tpu.assume_multiple %mul3A_321, 16 : i32
      %get3A_323 = arith.index_cast %multiple_of3A_322 : i32 to index
      %get3A_324 = tpu.vector_load %arg15[%get3A_323] {strides = array<i32>} : memref<16384xf32, #tpu.memory_space<vmem>>, vector<16xf32>,
      %bitcast_convert_type3A_325 = tpu.bitcast %get3A_324 : vector<16xf32> -> vector<16xi32>
      %gather3A_326 = tpu.vector_load_idx %arg14[%bitcast_convert_type3A_325] : memref<100000xf32, #tpu.memory_space<vmem>>[vector<16xi32>], vector<16xf32>,
      %swap3A_327 = arith.index_cast %multiple_of3A_322 : i32 to index
      %swap3A_328 = tpu.vector_load %arg15[%swap3A_327] {strides = array<i32>} : memref<16384xf32, #tpu.memory_space<vmem>>, vector<16xf32>,
      tpu.vector_store %arg15[%swap3A_327], %gather3A_326 {strides = array<i32>} : memref<16384xf32, #tpu.memory_space<vmem>>, vector<16xf32>,
      %scan3A_329 = arith.constant 6 : i32
      %scan3A_330 = arith.addi %scan3A_266, %scan3A_329 : i32
      %mul3A_331 = arith.constant 16 : i32
      %mul3A_332 = arith.muli %scan3A_330, %mul3A_331 : i32
      %multiple_of3A_333 = tpu.assume_multiple %mul3A_332, 16 : i32
      %get3A_334 = arith.index_cast %multiple_of3A_333 : i32 to index
      %get3A_335 = tpu.vector_load %arg15[%get3A_334] {strides = array<i32>} : memref<16384xf32, #tpu.memory_space<vmem>>, vector<16xf32>,
      %bitcast_convert_type3A_336 = tpu.bitcast %get3A_335 : vector<16xf32> -> vector<16xi32>
      %gather3A_337 = tpu.vector_load_idx %arg14[%bitcast_convert_type3A_336] : memref<100000xf32, #tpu.memory_space<vmem>>[vector<16xi32>], vector<16xf32>,
      %swap3A_338 = arith.index_cast %multiple_of3A_333 : i32 to index
      %swap3A_339 = tpu.vector_load %arg15[%swap3A_338] {strides = array<i32>} : memref<16384xf32, #tpu.memory_space<vmem>>, vector<16xf32>,
      tpu.vector_store %arg15[%swap3A_338], %gather3A_337 {strides = array<i32>} : memref<16384xf32, #tpu.memory_space<vmem>>, vector<16xf32>,
      %scan3A_340 = arith.constant 7 : i32
      %scan3A_341 = arith.addi %scan3A_266, %scan3A_340 : i32
      %mul3A_342 = arith.constant 16 : i32
      %mul3A_343 = arith.muli %scan3A_341, %mul3A_342 : i32
      %multiple_of3A_344 = tpu.assume_multiple %mul3A_343, 16 : i32
      %get3A_345 = arith.index_cast %multiple_of3A_344 : i32 to index
      %get3A_346 = tpu.vector_load %arg15[%get3A_345] {strides = array<i32>} : memref<16384xf32, #tpu.memory_space<vmem>>, vector<16xf32>,
      %bitcast_convert_type3A_347 = tpu.bitcast %get3A_346 : vector<16xf32> -> vector<16xi32>
      %gather3A_348 = tpu.vector_load_idx %arg14[%bitcast_convert_type3A_347] : memref<100000xf32, #tpu.memory_space<vmem>>[vector<16xi32>], vector<16xf32>,
      %swap3A_349 = arith.index_cast %multiple_of3A_344 : i32 to index
      %swap3A_350 = tpu.vector_load %arg15[%swap3A_349] {strides = array<i32>} : memref<16384xf32, #tpu.memory_space<vmem>>, vector<16xf32>,
      tpu.vector_store %arg15[%swap3A_349], %gather3A_348 {strides = array<i32>} : memref<16384xf32, #tpu.memory_space<vmem>>, vector<16xf32>,
      %scan3A_351 = arith.constant 8 : i32
      %scan3A_352 = arith.addi %scan3A_266, %scan3A_351 : i32
      %mul3A_353 = arith.constant 16 : i32
      %mul3A_354 = arith.muli %scan3A_352, %mul3A_353 : i32
      %multiple_of3A_355 = tpu.assume_multiple %mul3A_354, 16 : i32
      %get3A_356 = arith.index_cast %multiple_of3A_355 : i32 to index
      %get3A_357 = tpu.vector_load %arg15[%get3A_356] {strides = array<i32>} : memref<16384xf32, #tpu.memory_space<vmem>>, vector<16xf32>,
      %bitcast_convert_type3A_358 = tpu.bitcast %get3A_357 : vector<16xf32> -> vector<16xi32>
      %gather3A_359 = tpu.vector_load_idx %arg14[%bitcast_convert_type3A_358] : memref<100000xf32, #tpu.memory_space<vmem>>[vector<16xi32>], vector<16xf32>,
      %swap3A_360 = arith.index_cast %multiple_of3A_355 : i32 to index
      %swap3A_361 = tpu.vector_load %arg15[%swap3A_360] {strides = array<i32>} : memref<16384xf32, #tpu.memory_space<vmem>>, vector<16xf32>,
      tpu.vector_store %arg15[%swap3A_360], %gather3A_359 {strides = array<i32>} : memref<16384xf32, #tpu.memory_space<vmem>>, vector<16xf32>,
      %scan3A_362 = arith.constant 9 : i32
      %scan3A_363 = arith.addi %scan3A_266, %scan3A_362 : i32
      %mul3A_364 = arith.constant 16 : i32
      %mul3A_365 = arith.muli %scan3A_363, %mul3A_364 : i32
      %multiple_of3A_366 = tpu.assume_multiple %mul3A_365, 16 : i32
      %get3A_367 = arith.index_cast %multiple_of3A_366 : i32 to index
      %get3A_368 = tpu.vector_load %arg15[%get3A_367] {strides = array<i32>} : memref<16384xf32, #tpu.memory_space<vmem>>, vector<16xf32>,
      %bitcast_convert_type3A_369 = tpu.bitcast %get3A_368 : vector<16xf32> -> vector<16xi32>
      %gather3A_370 = tpu.vector_load_idx %arg14[%bitcast_convert_type3A_369] : memref<100000xf32, #tpu.memory_space<vmem>>[vector<16xi32>], vector<16xf32>,
      %swap3A_371 = arith.index_cast %multiple_of3A_366 : i32 to index
      %swap3A_372 = tpu.vector_load %arg15[%swap3A_371] {strides = array<i32>} : memref<16384xf32, #tpu.memory_space<vmem>>, vector<16xf32>,
      tpu.vector_store %arg15[%swap3A_371], %gather3A_370 {strides = array<i32>} : memref<16384xf32, #tpu.memory_space<vmem>>, vector<16xf32>,
      %scan3A_373 = arith.constant 10 : i32
      %scan3A_374 = arith.addi %scan3A_266, %scan3A_373 : i32
      %mul3A_375 = arith.constant 16 : i32
      %mul3A_376 = arith.muli %scan3A_374, %mul3A_375 : i32
      %multiple_of3A_377 = tpu.assume_multiple %mul3A_376, 16 : i32
      %get3A_378 = arith.index_cast %multiple_of3A_377 : i32 to index
      %get3A_379 = tpu.vector_load %arg15[%get3A_378] {strides = array<i32>} : memref<16384xf32, #tpu.memory_space<vmem>>, vector<16xf32>,
      %bitcast_convert_type3A_380 = tpu.bitcast %get3A_379 : vector<16xf32> -> vector<16xi32>
      %gather3A_381 = tpu.vector_load_idx %arg14[%bitcast_convert_type3A_380] : memref<100000xf32, #tpu.memory_space<vmem>>[vector<16xi32>], vector<16xf32>,
      %swap3A_382 = arith.index_cast %multiple_of3A_377 : i32 to index
      %swap3A_383 = tpu.vector_load %arg15[%swap3A_382] {strides = array<i32>} : memref<16384xf32, #tpu.memory_space<vmem>>, vector<16xf32>,
      tpu.vector_store %arg15[%swap3A_382], %gather3A_381 {strides = array<i32>} : memref<16384xf32, #tpu.memory_space<vmem>>, vector<16xf32>,
      %scan3A_384 = arith.constant 11 : i32
      %scan3A_385 = arith.addi %scan3A_266, %scan3A_384 : i32
      %mul3A_386 = arith.constant 16 : i32
      %mul3A_387 = arith.muli %scan3A_385, %mul3A_386 : i32
      %multiple_of3A_388 = tpu.assume_multiple %mul3A_387, 16 : i32
      %get3A_389 = arith.index_cast %multiple_of3A_388 : i32 to index
      %get3A_390 = tpu.vector_load %arg15[%get3A_389] {strides = array<i32>} : memref<16384xf32, #tpu.memory_space<vmem>>, vector<16xf32>,
      %bitcast_convert_type3A_391 = tpu.bitcast %get3A_390 : vector<16xf32> -> vector<16xi32>
      %gather3A_392 = tpu.vector_load_idx %arg14[%bitcast_convert_type3A_391] : memref<100000xf32, #tpu.memory_space<vmem>>[vector<16xi32>], vector<16xf32>,
      %swap3A_393 = arith.index_cast %multiple_of3A_388 : i32 to index
      %swap3A_394 = tpu.vector_load %arg15[%swap3A_393] {strides = array<i32>} : memref<16384xf32, #tpu.memory_space<vmem>>, vector<16xf32>,
      tpu.vector_store %arg15[%swap3A_393], %gather3A_392 {strides = array<i32>} : memref<16384xf32, #tpu.memory_space<vmem>>, vector<16xf32>,
      %scan3A_395 = arith.constant 12 : i32
      %scan3A_396 = arith.addi %scan3A_266, %scan3A_395 : i32
      %mul3A_397 = arith.constant 16 : i32
      %mul3A_398 = arith.muli %scan3A_396, %mul3A_397 : i32
      %multiple_of3A_399 = tpu.assume_multiple %mul3A_398, 16 : i32
      %get3A_400 = arith.index_cast %multiple_of3A_399 : i32 to index
      %get3A_401 = tpu.vector_load %arg15[%get3A_400] {strides = array<i32>} : memref<16384xf32, #tpu.memory_space<vmem>>, vector<16xf32>,
      %bitcast_convert_type3A_402 = tpu.bitcast %get3A_401 : vector<16xf32> -> vector<16xi32>
      %gather3A_403 = tpu.vector_load_idx %arg14[%bitcast_convert_type3A_402] : memref<100000xf32, #tpu.memory_space<vmem>>[vector<16xi32>], vector<16xf32>,
      %swap3A_404 = arith.index_cast %multiple_of3A_399 : i32 to index
      %swap3A_405 = tpu.vector_load %arg15[%swap3A_404] {strides = array<i32>} : memref<16384xf32, #tpu.memory_space<vmem>>, vector<16xf32>,
      tpu.vector_store %arg15[%swap3A_404], %gather3A_403 {strides = array<i32>} : memref<16384xf32, #tpu.memory_space<vmem>>, vector<16xf32>,
      %scan3A_406 = arith.constant 13 : i32
      %scan3A_407 = arith.addi %scan3A_266, %scan3A_406 : i32
      %mul3A_408 = arith.constant 16 : i32
      %mul3A_409 = arith.muli %scan3A_407, %mul3A_408 : i32
      %multiple_of3A_410 = tpu.assume_multiple %mul3A_409, 16 : i32
      %get3A_411 = arith.index_cast %multiple_of3A_410 : i32 to index
      %get3A_412 = tpu.vector_load %arg15[%get3A_411] {strides = array<i32>} : memref<16384xf32, #tpu.memory_space<vmem>>, vector<16xf32>,
      %bitcast_convert_type3A_413 = tpu.bitcast %get3A_412 : vector<16xf32> -> vector<16xi32>
      %gather3A_414 = tpu.vector_load_idx %arg14[%bitcast_convert_type3A_413] : memref<100000xf32, #tpu.memory_space<vmem>>[vector<16xi32>], vector<16xf32>,
      %swap3A_415 = arith.index_cast %multiple_of3A_410 : i32 to index
      %swap3A_416 = tpu.vector_load %arg15[%swap3A_415] {strides = array<i32>} : memref<16384xf32, #tpu.memory_space<vmem>>, vector<16xf32>,
      tpu.vector_store %arg15[%swap3A_415], %gather3A_414 {strides = array<i32>} : memref<16384xf32, #tpu.memory_space<vmem>>, vector<16xf32>,
      %scan3A_417 = arith.constant 14 : i32
      %scan3A_418 = arith.addi %scan3A_266, %scan3A_417 : i32
      %mul3A_419 = arith.constant 16 : i32
      %mul3A_420 = arith.muli %scan3A_418, %mul3A_419 : i32
      %multiple_of3A_421 = tpu.assume_multiple %mul3A_420, 16 : i32
      %get3A_422 = arith.index_cast %multiple_of3A_421 : i32 to index
      %get3A_423 = tpu.vector_load %arg15[%get3A_422] {strides = array<i32>} : memref<16384xf32, #tpu.memory_space<vmem>>, vector<16xf32>,
      %bitcast_convert_type3A_424 = tpu.bitcast %get3A_423 : vector<16xf32> -> vector<16xi32>
      %gather3A_425 = tpu.vector_load_idx %arg14[%bitcast_convert_type3A_424] : memref<100000xf32, #tpu.memory_space<vmem>>[vector<16xi32>], vector<16xf32>,
      %swap3A_426 = arith.index_cast %multiple_of3A_421 : i32 to index
      %swap3A_427 = tpu.vector_load %arg15[%swap3A_426] {strides = array<i32>} : memref<16384xf32, #tpu.memory_space<vmem>>, vector<16xf32>,
      tpu.vector_store %arg15[%swap3A_426], %gather3A_425 {strides = array<i32>} : memref<16384xf32, #tpu.memory_space<vmem>>, vector<16xf32>,
      %scan3A_428 = arith.constant 15 : i32
      %scan3A_429 = arith.addi %scan3A_266, %scan3A_428 : i32
      %mul3A_430 = arith.constant 16 : i32
      %mul3A_431 = arith.muli %scan3A_429, %mul3A_430 : i32
      %multiple_of3A_432 = tpu.assume_multiple %mul3A_431, 16 : i32
      %get3A_433 = arith.index_cast %multiple_of3A_432 : i32 to index
      %get3A_434 = tpu.vector_load %arg15[%get3A_433] {strides = array<i32>} : memref<16384xf32, #tpu.memory_space<vmem>>, vector<16xf32>,
      %bitcast_convert_type3A_435 = tpu.bitcast %get3A_434 : vector<16xf32> -> vector<16xi32>
      %gather3A_436 = tpu.vector_load_idx %arg14[%bitcast_convert_type3A_435] : memref<100000xf32, #tpu.memory_space<vmem>>[vector<16xi32>], vector<16xf32>,
      %swap3A_437 = arith.index_cast %multiple_of3A_432 : i32 to index
      %swap3A_438 = tpu.vector_load %arg15[%swap3A_437] {strides = array<i32>} : memref<16384xf32, #tpu.memory_space<vmem>>, vector<16xf32>,
      tpu.vector_store %arg15[%swap3A_437], %gather3A_436 {strides = array<i32>} : memref<16384xf32, #tpu.memory_space<vmem>>, vector<16xf32>,
    }
    %scan3A_190 = arith.constant 1024 : i32
    %get3A_191 = arith.constant 0 : index
    %get3A_192 = tpu.vector_load %arg18[%get3A_191] {strides = array<i32>} : memref<64xi32, #tpu.memory_space<vmem>>, vector<16xi32>,
    %gather3A_193 = tpu.vector_load_idx %arg14[%get3A_192] : memref<100000xf32, #tpu.memory_space<vmem>>[vector<16xi32>], vector<16xf32>,
    %swap3A_194 = arith.constant 1 : i32
    %swap3A_195 = arith.constant 0 : i32
    %swap3A_196 = tpu.memref_slice %arg19[%swap3A_194, %swap3A_195] : memref<2x64xf32, #tpu.memory_space<vmem>> -> memref<1x64xf32, #tpu.memory_space<vmem>>
    %swap3A_197 = tpu.memref_squeeze %swap3A_196 : memref<1x64xf32, #tpu.memory_space<vmem>> -> memref<64xf32, #tpu.memory_space<vmem>>
    %swap3A_198 = arith.constant 0 : index
    %swap3A_199 = tpu.vector_load %swap3A_197[%swap3A_198] {strides = array<i32>} : memref<64xf32, #tpu.memory_space<vmem>>, vector<16xf32>,
    tpu.vector_store %swap3A_197[%swap3A_198], %gather3A_193 {strides = array<i32>} : memref<64xf32, #tpu.memory_space<vmem>>, vector<16xf32>,
    %get3A_200 = arith.constant 16 : index
    %get3A_201 = tpu.vector_load %arg18[%get3A_200] {strides = array<i32>} : memref<64xi32, #tpu.memory_space<vmem>>, vector<16xi32>,
    %gather3A_202 = tpu.vector_load_idx %arg14[%get3A_201] : memref<100000xf32, #tpu.memory_space<vmem>>[vector<16xi32>], vector<16xf32>,
    %swap3A_203 = arith.constant 1 : i32
    %swap3A_204 = arith.constant 0 : i32
    %swap3A_205 = tpu.memref_slice %arg19[%swap3A_203, %swap3A_204] : memref<2x64xf32, #tpu.memory_space<vmem>> -> memref<1x64xf32, #tpu.memory_space<vmem>>
    %swap3A_206 = tpu.memref_squeeze %swap3A_205 : memref<1x64xf32, #tpu.memory_space<vmem>> -> memref<64xf32, #tpu.memory_space<vmem>>
    %swap3A_207 = arith.constant 16 : index
    %swap3A_208 = tpu.vector_load %swap3A_206[%swap3A_207] {strides = array<i32>} : memref<64xf32, #tpu.memory_space<vmem>>, vector<16xf32>,
    tpu.vector_store %swap3A_206[%swap3A_207], %gather3A_202 {strides = array<i32>} : memref<64xf32, #tpu.memory_space<vmem>>, vector<16xf32>,
    %get3A_209 = arith.constant 32 : index
    %get3A_210 = tpu.vector_load %arg18[%get3A_209] {strides = array<i32>} : memref<64xi32, #tpu.memory_space<vmem>>, vector<16xi32>,
    %gather3A_211 = tpu.vector_load_idx %arg14[%get3A_210] : memref<100000xf32, #tpu.memory_space<vmem>>[vector<16xi32>], vector<16xf32>,
    %swap3A_212 = arith.constant 1 : i32
    %swap3A_213 = arith.constant 0 : i32
    %swap3A_214 = tpu.memref_slice %arg19[%swap3A_212, %swap3A_213] : memref<2x64xf32, #tpu.memory_space<vmem>> -> memref<1x64xf32, #tpu.memory_space<vmem>>
    %swap3A_215 = tpu.memref_squeeze %swap3A_214 : memref<1x64xf32, #tpu.memory_space<vmem>> -> memref<64xf32, #tpu.memory_space<vmem>>
    %swap3A_216 = arith.constant 32 : index
    %swap3A_217 = tpu.vector_load %swap3A_215[%swap3A_216] {strides = array<i32>} : memref<64xf32, #tpu.memory_space<vmem>>, vector<16xf32>,
    tpu.vector_store %swap3A_215[%swap3A_216], %gather3A_211 {strides = array<i32>} : memref<64xf32, #tpu.memory_space<vmem>>, vector<16xf32>,
    %get3A_218 = arith.constant 48 : index
    %get3A_219 = tpu.vector_load %arg18[%get3A_218] {strides = array<i32>} : memref<64xi32, #tpu.memory_space<vmem>>, vector<16xi32>,
    %gather3A_220 = tpu.vector_load_idx %arg14[%get3A_219] : memref<100000xf32, #tpu.memory_space<vmem>>[vector<16xi32>], vector<16xf32>,
    %swap3A_221 = arith.constant 1 : i32
    %swap3A_222 = arith.constant 0 : i32
    %swap3A_223 = tpu.memref_slice %arg19[%swap3A_221, %swap3A_222] : memref<2x64xf32, #tpu.memory_space<vmem>> -> memref<1x64xf32, #tpu.memory_space<vmem>>
    %swap3A_224 = tpu.memref_squeeze %swap3A_223 : memref<1x64xf32, #tpu.memory_space<vmem>> -> memref<64xf32, #tpu.memory_space<vmem>>
    %swap3A_225 = arith.constant 48 : index
    %swap3A_226 = tpu.vector_load %swap3A_224[%swap3A_225] {strides = array<i32>} : memref<64xf32, #tpu.memory_space<vmem>>, vector<16xf32>,
    tpu.vector_store %swap3A_224[%swap3A_225], %gather3A_220 {strides = array<i32>} : memref<64xf32, #tpu.memory_space<vmem>>, vector<16xf32>,
    %dma_start3A_227 = arith.constant 0 : i32
    %dma_start3A_228 = tpu.memref_slice %arg10[%add3A_172, %dma_start3A_227] : memref<64x16384xf32, #tpu.memory_space<hbm>> -> memref<1x16384xf32, #tpu.memory_space<hbm>>
    %dma_start3A_229 = tpu.memref_squeeze %dma_start3A_228 : memref<1x16384xf32, #tpu.memory_space<hbm>> -> memref<16384xf32, #tpu.memory_space<hbm>>
    %dma_start3A_230 = arith.constant 0 : i32
    %dma_start3A_231 = tpu.memref_slice %arg10[%add3A_172, %dma_start3A_230] : memref<64x16384xf32, #tpu.memory_space<hbm>> -> memref<1x16384xf32, #tpu.memory_space<hbm>>
    %dma_start3A_232 = tpu.memref_squeeze %dma_start3A_231 : memref<1x16384xf32, #tpu.memory_space<hbm>> -> memref<16384xf32, #tpu.memory_space<hbm>>
    tpu.enqueue_dma source(%arg15 : memref<16384xf32, #tpu.memory_space<vmem>>) target(%dma_start3A_232 : memref<16384xf32, #tpu.memory_space<hbm>>) target_semaphore(%arg23 : memref<!tpu.dma_semaphore, #tpu.memory_space<semaphore_mem>>)
    %dma_wait3A_233 = arith.constant 0 : i32
    %dma_wait3A_234 = tpu.memref_slice %arg10[%add3A_172, %dma_wait3A_233] : memref<64x16384xf32, #tpu.memory_space<hbm>> -> memref<1x16384xf32, #tpu.memory_space<hbm>>
    %dma_wait3A_235 = tpu.memref_squeeze %dma_wait3A_234 : memref<1x16384xf32, #tpu.memory_space<hbm>> -> memref<16384xf32, #tpu.memory_space<hbm>>
    %dma_wait3A_236 = arith.constant 0 : i32
    %dma_wait3A_237 = tpu.memref_slice %arg10[%add3A_172, %dma_wait3A_236] : memref<64x16384xf32, #tpu.memory_space<hbm>> -> memref<1x16384xf32, #tpu.memory_space<hbm>>
    %dma_wait3A_238 = tpu.memref_squeeze %dma_wait3A_237 : memref<1x16384xf32, #tpu.memory_space<hbm>> -> memref<16384xf32, #tpu.memory_space<hbm>>
    tpu.wait_dma2 semaphore(%arg23 : memref<!tpu.dma_semaphore, #tpu.memory_space<semaphore_mem>>) src(%arg15 : memref<16384xf32, #tpu.memory_space<vmem>>) dst(%dma_wait3A_238 : memref<16384xf32, #tpu.memory_space<hbm>>)
    %mul3A_239 = arith.constant 2 : i32
    %mul3A_240 = arith.muli %add3A, %mul3A_239 : i32
    "tpu.region"() ({
      %run_scoped3A = tpu.sem_alloc : memref<!tpu.dma_semaphore, #tpu.memory_space<semaphore_mem>>
      %dma_start3A_266 = arith.constant 0 : i32
      %dma_start3A_267 = tpu.memref_slice %arg12[%mul3A_240, %dma_start3A_266] : memref<64x64xf32, #tpu.memory_space<hbm>> -> memref<2x64xf32, #tpu.memory_space<hbm>>
      %dma_start3A_268 = arith.constant 0 : i32
      %dma_start3A_269 = tpu.memref_slice %arg12[%mul3A_240, %dma_start3A_268] : memref<64x64xf32, #tpu.memory_space<hbm>> -> memref<2x64xf32, #tpu.memory_space<hbm>>
      tpu.enqueue_dma source(%arg19 : memref<2x64xf32, #tpu.memory_space<vmem>>) target(%dma_start3A_269 : memref<2x64xf32, #tpu.memory_space<hbm>>) target_semaphore(%run_scoped3A : memref<!tpu.dma_semaphore, #tpu.memory_space<semaphore_mem>>)
      %dma_wait3A_270 = arith.constant 0 : i32
      %dma_wait3A_271 = tpu.memref_slice %arg12[%mul3A_240, %dma_wait3A_270] : memref<64x64xf32, #tpu.memory_space<hbm>> -> memref<2x64xf32, #tpu.memory_space<hbm>>
      %dma_wait3A_272 = arith.constant 0 : i32
      %dma_wait3A_273 = tpu.memref_slice %arg12[%mul3A_240, %dma_wait3A_272] : memref<64x64xf32, #tpu.memory_space<hbm>> -> memref<2x64xf32, #tpu.memory_space<hbm>>
      tpu.wait_dma2 semaphore(%run_scoped3A : memref<!tpu.dma_semaphore, #tpu.memory_space<semaphore_mem>>) src(%arg19 : memref<2x64xf32, #tpu.memory_space<vmem>>) dst(%dma_wait3A_273 : memref<2x64xf32, #tpu.memory_space<hbm>>)
      tpu.yield
    }) : () -> ()
    %eq3A_241 = arith.constant 0 : i32
    %eq3A_242 = arith.cmpi eq, %add3A, %eq3A_241 : i32
    %convert_element_type3A_243 = arith.extui %eq3A_242 : i1 to i32
    %cond3A_244 = arith.constant 0 : i32
    %cond3A_245 = arith.cmpi ne, %convert_element_type3A_243, %cond3A_244 : i32
    scf.if %cond3A_245 {
      %dma_wait3A_266 = arith.constant 0 : i32
      %dma_wait3A_267 = tpu.memref_slice %arg4[%dma_wait3A_266] : memref<100000xf32, #tpu.memory_space<hbm>> -> memref<100000xf32, #tpu.memory_space<hbm>>
      tpu.wait_indirect_dma semaphore(%arg24 : memref<!tpu.dma_semaphore, #tpu.memory_space<semaphore_mem>>) src(%dma_wait3A_267 : memref<100000xf32, #tpu.memory_space<hbm>>) dst(%arg20 : memref<64xf32, #tpu.memory_space<vmem>>)
      "tpu.region"() ({
        %run_scoped3A = tpu.sem_alloc : memref<!tpu.dma_semaphore, #tpu.memory_space<semaphore_mem>>
        %dma_start3A_268 = arith.constant 0 : i32
        %dma_start3A_269 = tpu.memref_slice %arg11[%dma_start3A_268] : memref<16384xf32, #tpu.memory_space<hbm>> -> memref<4096xf32, #tpu.memory_space<hbm>>
        %dma_start3A_270 = arith.constant 0 : i32
        %dma_start3A_271 = tpu.memref_slice %arg11[%dma_start3A_270] : memref<16384xf32, #tpu.memory_space<hbm>> -> memref<4096xf32, #tpu.memory_space<hbm>>
        tpu.enqueue_dma source(%arg17 : memref<4096xf32, #tpu.memory_space<vmem>>) target(%dma_start3A_271 : memref<4096xf32, #tpu.memory_space<hbm>>) target_semaphore(%run_scoped3A : memref<!tpu.dma_semaphore, #tpu.memory_space<semaphore_mem>>)
        %dma_wait3A_272 = arith.constant 0 : i32
        %dma_wait3A_273 = tpu.memref_slice %arg11[%dma_wait3A_272] : memref<16384xf32, #tpu.memory_space<hbm>> -> memref<4096xf32, #tpu.memory_space<hbm>>
        %dma_wait3A_274 = arith.constant 0 : i32
        %dma_wait3A_275 = tpu.memref_slice %arg11[%dma_wait3A_274] : memref<16384xf32, #tpu.memory_space<hbm>> -> memref<4096xf32, #tpu.memory_space<hbm>>
        tpu.wait_dma2 semaphore(%run_scoped3A : memref<!tpu.dma_semaphore, #tpu.memory_space<semaphore_mem>>) src(%arg17 : memref<4096xf32, #tpu.memory_space<vmem>>) dst(%dma_wait3A_275 : memref<4096xf32, #tpu.memory_space<hbm>>)
        tpu.yield
      }) : () -> ()
    } else {
    }
    %eq3A_246 = arith.constant 1 : i32
    %eq3A_247 = arith.cmpi eq, %add3A, %eq3A_246 : i32
    %convert_element_type3A_248 = arith.extui %eq3A_247 : i1 to i32
    %cond3A_249 = arith.constant 0 : i32
    %cond3A_250 = arith.cmpi ne, %convert_element_type3A_248, %cond3A_249 : i32
    scf.if %cond3A_250 {
      %dma_wait3A_266 = arith.constant 0 : i32
      %dma_wait3A_267 = tpu.memref_slice %arg4[%dma_wait3A_266] : memref<100000xf32, #tpu.memory_space<hbm>> -> memref<100000xf32, #tpu.memory_space<hbm>>
      tpu.wait_indirect_dma semaphore(%arg24 : memref<!tpu.dma_semaphore, #tpu.memory_space<semaphore_mem>>) src(%dma_wait3A_267 : memref<100000xf32, #tpu.memory_space<hbm>>) dst(%arg20 : memref<64xf32, #tpu.memory_space<vmem>>)
      "tpu.region"() ({
        %run_scoped3A = tpu.sem_alloc : memref<!tpu.dma_semaphore, #tpu.memory_space<semaphore_mem>>
        %dma_start3A_268 = arith.constant 4096 : i32
        %dma_start3A_269 = tpu.memref_slice %arg11[%dma_start3A_268] : memref<16384xf32, #tpu.memory_space<hbm>> -> memref<4096xf32, #tpu.memory_space<hbm>>
        %dma_start3A_270 = arith.constant 4096 : i32
        %dma_start3A_271 = tpu.memref_slice %arg11[%dma_start3A_270] : memref<16384xf32, #tpu.memory_space<hbm>> -> memref<4096xf32, #tpu.memory_space<hbm>>
        tpu.enqueue_dma source(%arg17 : memref<4096xf32, #tpu.memory_space<vmem>>) target(%dma_start3A_271 : memref<4096xf32, #tpu.memory_space<hbm>>) target_semaphore(%run_scoped3A : memref<!tpu.dma_semaphore, #tpu.memory_space<semaphore_mem>>)
        %dma_wait3A_272 = arith.constant 4096 : i32
        %dma_wait3A_273 = tpu.memref_slice %arg11[%dma_wait3A_272] : memref<16384xf32, #tpu.memory_space<hbm>> -> memref<4096xf32, #tpu.memory_space<hbm>>
        %dma_wait3A_274 = arith.constant 4096 : i32
        %dma_wait3A_275 = tpu.memref_slice %arg11[%dma_wait3A_274] : memref<16384xf32, #tpu.memory_space<hbm>> -> memref<4096xf32, #tpu.memory_space<hbm>>
        tpu.wait_dma2 semaphore(%run_scoped3A : memref<!tpu.dma_semaphore, #tpu.memory_space<semaphore_mem>>) src(%arg17 : memref<4096xf32, #tpu.memory_space<vmem>>) dst(%dma_wait3A_275 : memref<4096xf32, #tpu.memory_space<hbm>>)
        tpu.yield
      }) : () -> ()
    } else {
    }
    %eq3A_251 = arith.constant 2 : i32
    %eq3A_252 = arith.cmpi eq, %add3A, %eq3A_251 : i32
    %convert_element_type3A_253 = arith.extui %eq3A_252 : i1 to i32
    %cond3A_254 = arith.constant 0 : i32
    %cond3A_255 = arith.cmpi ne, %convert_element_type3A_253, %cond3A_254 : i32
    scf.if %cond3A_255 {
      %dma_wait3A_266 = arith.constant 0 : i32
      %dma_wait3A_267 = tpu.memref_slice %arg4[%dma_wait3A_266] : memref<100000xf32, #tpu.memory_space<hbm>> -> memref<100000xf32, #tpu.memory_space<hbm>>
      tpu.wait_indirect_dma semaphore(%arg24 : memref<!tpu.dma_semaphore, #tpu.memory_space<semaphore_mem>>) src(%dma_wait3A_267 : memref<100000xf32, #tpu.memory_space<hbm>>) dst(%arg20 : memref<64xf32, #tpu.memory_space<vmem>>)
      "tpu.region"() ({
        %run_scoped3A = tpu.sem_alloc : memref<!tpu.dma_semaphore, #tpu.memory_space<semaphore_mem>>
        %dma_start3A_268 = arith.constant 8192 : i32
        %dma_start3A_269 = tpu.memref_slice %arg11[%dma_start3A_268] : memref<16384xf32, #tpu.memory_space<hbm>> -> memref<4096xf32, #tpu.memory_space<hbm>>
        %dma_start3A_270 = arith.constant 8192 : i32
        %dma_start3A_271 = tpu.memref_slice %arg11[%dma_start3A_270] : memref<16384xf32, #tpu.memory_space<hbm>> -> memref<4096xf32, #tpu.memory_space<hbm>>
        tpu.enqueue_dma source(%arg17 : memref<4096xf32, #tpu.memory_space<vmem>>) target(%dma_start3A_271 : memref<4096xf32, #tpu.memory_space<hbm>>) target_semaphore(%run_scoped3A : memref<!tpu.dma_semaphore, #tpu.memory_space<semaphore_mem>>)
        %dma_wait3A_272 = arith.constant 8192 : i32
        %dma_wait3A_273 = tpu.memref_slice %arg11[%dma_wait3A_272] : memref<16384xf32, #tpu.memory_space<hbm>> -> memref<4096xf32, #tpu.memory_space<hbm>>
        %dma_wait3A_274 = arith.constant 8192 : i32
        %dma_wait3A_275 = tpu.memref_slice %arg11[%dma_wait3A_274] : memref<16384xf32, #tpu.memory_space<hbm>> -> memref<4096xf32, #tpu.memory_space<hbm>>
        tpu.wait_dma2 semaphore(%run_scoped3A : memref<!tpu.dma_semaphore, #tpu.memory_space<semaphore_mem>>) src(%arg17 : memref<4096xf32, #tpu.memory_space<vmem>>) dst(%dma_wait3A_275 : memref<4096xf32, #tpu.memory_space<hbm>>)
        tpu.yield
      }) : () -> ()
    } else {
    }
    %eq3A_256 = arith.constant 3 : i32
    %eq3A_257 = arith.cmpi eq, %add3A, %eq3A_256 : i32
    %convert_element_type3A_258 = arith.extui %eq3A_257 : i1 to i32
    %cond3A_259 = arith.constant 0 : i32
    %cond3A_260 = arith.cmpi ne, %convert_element_type3A_258, %cond3A_259 : i32
    scf.if %cond3A_260 {
      %dma_wait3A_266 = arith.constant 0 : i32
      %dma_wait3A_267 = tpu.memref_slice %arg4[%dma_wait3A_266] : memref<100000xf32, #tpu.memory_space<hbm>> -> memref<100000xf32, #tpu.memory_space<hbm>>
      tpu.wait_indirect_dma semaphore(%arg24 : memref<!tpu.dma_semaphore, #tpu.memory_space<semaphore_mem>>) src(%dma_wait3A_267 : memref<100000xf32, #tpu.memory_space<hbm>>) dst(%arg20 : memref<64xf32, #tpu.memory_space<vmem>>)
      "tpu.region"() ({
        %run_scoped3A = tpu.sem_alloc : memref<!tpu.dma_semaphore, #tpu.memory_space<semaphore_mem>>
        %dma_start3A_268 = arith.constant 12288 : i32
        %dma_start3A_269 = tpu.memref_slice %arg11[%dma_start3A_268] : memref<16384xf32, #tpu.memory_space<hbm>> -> memref<4096xf32, #tpu.memory_space<hbm>>
        %dma_start3A_270 = arith.constant 12288 : i32
        %dma_start3A_271 = tpu.memref_slice %arg11[%dma_start3A_270] : memref<16384xf32, #tpu.memory_space<hbm>> -> memref<4096xf32, #tpu.memory_space<hbm>>
        tpu.enqueue_dma source(%arg17 : memref<4096xf32, #tpu.memory_space<vmem>>) target(%dma_start3A_271 : memref<4096xf32, #tpu.memory_space<hbm>>) target_semaphore(%run_scoped3A : memref<!tpu.dma_semaphore, #tpu.memory_space<semaphore_mem>>)
        %dma_wait3A_272 = arith.constant 12288 : i32
        %dma_wait3A_273 = tpu.memref_slice %arg11[%dma_wait3A_272] : memref<16384xf32, #tpu.memory_space<hbm>> -> memref<4096xf32, #tpu.memory_space<hbm>>
        %dma_wait3A_274 = arith.constant 12288 : i32
        %dma_wait3A_275 = tpu.memref_slice %arg11[%dma_wait3A_274] : memref<16384xf32, #tpu.memory_space<hbm>> -> memref<4096xf32, #tpu.memory_space<hbm>>
        tpu.wait_dma2 semaphore(%run_scoped3A : memref<!tpu.dma_semaphore, #tpu.memory_space<semaphore_mem>>) src(%arg17 : memref<4096xf32, #tpu.memory_space<vmem>>) dst(%dma_wait3A_275 : memref<4096xf32, #tpu.memory_space<hbm>>)
        tpu.yield
      }) : () -> ()
    } else {
    }
    %eq3A_261 = arith.constant 4 : i32
    %eq3A_262 = arith.cmpi eq, %add3A, %eq3A_261 : i32
    %convert_element_type3A_263 = arith.extui %eq3A_262 : i1 to i32
    %cond3A_264 = arith.constant 0 : i32
    %cond3A_265 = arith.cmpi ne, %convert_element_type3A_263, %cond3A_264 : i32
    scf.if %cond3A_265 {
      %dma_wait3A_266 = arith.constant 0 : i32
      %dma_wait3A_267 = tpu.memref_slice %arg4[%dma_wait3A_266] : memref<100000xf32, #tpu.memory_space<hbm>> -> memref<100000xf32, #tpu.memory_space<hbm>>
      tpu.wait_indirect_dma semaphore(%arg24 : memref<!tpu.dma_semaphore, #tpu.memory_space<semaphore_mem>>) src(%dma_wait3A_267 : memref<100000xf32, #tpu.memory_space<hbm>>) dst(%arg20 : memref<64xf32, #tpu.memory_space<vmem>>)
      "tpu.region"() ({
        %run_scoped3A = tpu.sem_alloc : memref<!tpu.dma_semaphore, #tpu.memory_space<semaphore_mem>>
        tpu.enqueue_dma source(%arg20 : memref<64xf32, #tpu.memory_space<vmem>>) target(%arg13 : memref<64xf32, #tpu.memory_space<hbm>>) target_semaphore(%run_scoped3A : memref<!tpu.dma_semaphore, #tpu.memory_space<semaphore_mem>>)
        tpu.wait_dma2 semaphore(%run_scoped3A : memref<!tpu.dma_semaphore, #tpu.memory_space<semaphore_mem>>) src(%arg20 : memref<64xf32, #tpu.memory_space<vmem>>) dst(%arg13 : memref<64xf32, #tpu.memory_space<hbm>>)
        tpu.yield
      }) : () -> ()
    } else {
    }
    return
  }
}

module attributes {stable_mosaic.version = 14 : i64} {
  func.func @_tc_loss_body(%arg0: i32, %arg1: memref<64x2048xf32, #tpu.memory_space<vmem>>, %arg2: memref<64x2048xf32, #tpu.memory_space<vmem>>, %arg3: memref<1x1x2048xf32, #tpu.memory_space<vmem>>, %arg4: memref<1x1x2048xi32, #tpu.memory_space<vmem>>, %arg5: memref<64x64xf32, #tpu.memory_space<vmem>>, %arg6: memref<1x64xf32, #tpu.memory_space<vmem>>, %arg7: memref<1x64xi32, #tpu.memory_space<vmem>>, %arg8: memref<1x1xf32, #tpu.memory_space<smem>>) attributes {dimension_semantics = [#tpu.dimension_semantics<arbitrary>], iteration_bounds = array<i64: 8>, scalar_prefetch = 0 : i64, scratch_operands = 0 : i64, tpu.core_type = #tpu.core_type<tc>, window_params = [{transform_indices = @transform_0, window_bounds = array<i64: 64, 2048>}, {transform_indices = @transform_1, window_bounds = array<i64: 64, 2048>}, {transform_indices = @transform_2, window_bounds = array<i64: 1, 1, 2048>}, {transform_indices = @transform_3, window_bounds = array<i64: 1, 1, 2048>}, {pipeline_mode = #tpu.pipeline_mode<synchronous>, transform_indices = @transform_4, window_bounds = array<i64: 64, 64>}, {pipeline_mode = #tpu.pipeline_mode<synchronous>, transform_indices = @transform_5, window_bounds = array<i64: 1, 64>}, {pipeline_mode = #tpu.pipeline_mode<synchronous>, transform_indices = @transform_6, window_bounds = array<i64: 1, 64>}, {transform_indices = @transform_7, window_bounds = array<i64: 1, 1>}]} {
    %get3A = arith.constant 0 : index
    %get3A_0 = arith.constant 0 : index
    %get3A_1 = vector.load %arg1[%get3A, %get3A_0] : memref<64x2048xf32, #tpu.memory_space<vmem>>, vector<64x2048xf32>
    %get3A_2 = arith.constant 0 : index
    %get3A_3 = arith.constant 0 : index
    %get3A_4 = vector.load %arg2[%get3A_2, %get3A_3] : memref<64x2048xf32, #tpu.memory_space<vmem>>, vector<64x2048xf32>
    %get3A_5 = arith.constant 0 : index
    %get3A_6 = arith.constant 0 : index
    %get3A_7 = arith.constant 0 : index
    %get3A_8 = vector.load %arg3[%get3A_5, %get3A_6, %get3A_7] : memref<1x1x2048xf32, #tpu.memory_space<vmem>>, vector<1x1x2048xf32>
    %get3A_9 = vector.shape_cast %get3A_8 : vector<1x1x2048xf32> to vector<2048xf32>
    %get3A_10 = arith.constant 0 : index
    %get3A_11 = arith.constant 0 : index
    %get3A_12 = arith.constant 0 : index
    %get3A_13 = vector.load %arg4[%get3A_10, %get3A_11, %get3A_12] : memref<1x1x2048xi32, #tpu.memory_space<vmem>>, vector<1x1x2048xi32>
    %get3A_14 = vector.shape_cast %get3A_13 : vector<1x1x2048xi32> to vector<2048xi32>
    %convert_element_type3A = arith.sitofp %get3A_14 : vector<2048xi32> to vector<2048xf32>
    %mul3A = arith.mulf %get3A_1, %get3A_4 : vector<64x2048xf32>
    %reduce_sum3A = arith.constant dense<0.000000e+00> : vector<2048xf32>
    %reduce_sum3A_15 = vector.multi_reduction <add>, %mul3A, %reduce_sum3A [0] : vector<64x2048xf32> to vector<2048xf32>
    %add3A = arith.addf %reduce_sum3A_15, %get3A_9 : vector<2048xf32>
    %add3A_16 = arith.constant 2.000000e+00 : f32
    %add3A_17 = vector.broadcast %add3A_16 : f32 to vector<2048xf32>
    %add3A_18 = arith.addf %convert_element_type3A, %add3A_17 : vector<2048xf32>
    %log3A = math.log %add3A_18 : vector<2048xf32>
    %add3A_19 = arith.constant 1.000000e+00 : f32
    %add3A_20 = vector.broadcast %add3A_19 : f32 to vector<2048xf32>
    %add3A_21 = arith.addf %convert_element_type3A, %add3A_20 : vector<2048xf32>
    %log3A_22 = math.log %add3A_21 : vector<2048xf32>
    %sub3A = arith.subf %log3A, %log3A_22 : vector<2048xf32>
    %log3A_23 = arith.constant 1.000010e+05 : f32
    %log3A_24 = math.log %log3A_23 : f32
    %div3A = vector.broadcast %log3A_24 : f32 to vector<2048xf32>
    %div3A_25 = arith.divf %sub3A, %div3A : vector<2048xf32>
    %mul3A_26 = arith.constant 6.400000e+01 : f32
    %mul3A_27 = vector.broadcast %mul3A_26 : f32 to vector<2048xf32>
    %mul3A_28 = arith.mulf %mul3A_27, %div3A_25 : vector<2048xf32>
    %log3A_29 = math.log %mul3A_28 : vector<2048xf32>
    %sub3A_30 = arith.subf %add3A, %log3A_29 : vector<2048xf32>
    %get3A_31 = arith.constant 0 : index
    %get3A_32 = arith.constant 0 : index
    %get3A_33 = vector.load %arg5[%get3A_31, %get3A_32] : memref<64x64xf32, #tpu.memory_space<vmem>>, vector<64x64xf32>
    %get3A_34 = arith.constant 0 : index
    %get3A_35 = arith.constant 0 : index
    %get3A_36 = vector.load %arg6[%get3A_34, %get3A_35] : memref<1x64xf32, #tpu.memory_space<vmem>>, vector<1x64xf32>
    %get3A_37 = vector.shape_cast %get3A_36 : vector<1x64xf32> to vector<64xf32>
    %get3A_38 = arith.constant 0 : index
    %get3A_39 = arith.constant 0 : index
    %get3A_40 = vector.load %arg7[%get3A_38, %get3A_39] : memref<1x64xi32, #tpu.memory_space<vmem>>, vector<1x64xi32>
    %get3A_41 = vector.shape_cast %get3A_40 : vector<1x64xi32> to vector<64xi32>
    %convert_element_type3A_42 = arith.sitofp %get3A_41 : vector<64xi32> to vector<64xf32>
    %dot_general3A = arith.constant dense<0.000000e+00> : vector<64x2048xf32>
    %dot_general3A_43 = tpu.matmul %get3A_33, %get3A_1, %dot_general3A {dimension_numbers = #tpu.dot_dimension_numbers<[0], [0], [1], [1], [0, 1, 1, 1], [], []>, transpose_lhs_hint = false} : vector<64x64xf32>, vector<64x2048xf32>, vector<64x2048xf32> -> vector<64x2048xf32>
    %add3A_44 = arith.constant 2.000000e+00 : f32
    %add3A_45 = vector.broadcast %add3A_44 : f32 to vector<64xf32>
    %add3A_46 = arith.addf %convert_element_type3A_42, %add3A_45 : vector<64xf32>
    %log3A_47 = math.log %add3A_46 : vector<64xf32>
    %add3A_48 = arith.constant 1.000000e+00 : f32
    %add3A_49 = vector.broadcast %add3A_48 : f32 to vector<64xf32>
    %add3A_50 = arith.addf %convert_element_type3A_42, %add3A_49 : vector<64xf32>
    %log3A_51 = math.log %add3A_50 : vector<64xf32>
    %sub3A_52 = arith.subf %log3A_47, %log3A_51 : vector<64xf32>
    %log3A_53 = arith.constant 1.000010e+05 : f32
    %log3A_54 = math.log %log3A_53 : f32
    %div3A_55 = vector.broadcast %log3A_54 : f32 to vector<64xf32>
    %div3A_56 = arith.divf %sub3A_52, %div3A_55 : vector<64xf32>
    %mul3A_57 = arith.constant 6.400000e+01 : f32
    %mul3A_58 = vector.broadcast %mul3A_57 : f32 to vector<64xf32>
    %mul3A_59 = arith.mulf %mul3A_58, %div3A_56 : vector<64xf32>
    %log3A_60 = math.log %mul3A_59 : vector<64xf32>
    %sub3A_61 = arith.subf %get3A_37, %log3A_60 : vector<64xf32>
    %broadcast_in_dim3A = vector.shape_cast %sub3A_61 : vector<64xf32> to vector<64x1xf32>
    %add3A_62 = vector.broadcast %broadcast_in_dim3A : vector<64x1xf32> to vector<64x2048xf32>
    %add3A_63 = arith.addf %dot_general3A_43, %add3A_62 : vector<64x2048xf32>
    %neg3A = arith.constant 0.000000e+00 : f32
    %neg3A_64 = vector.broadcast %neg3A : f32 to vector<2048xf32>
    %neg3A_65 = arith.subf %neg3A_64, %sub3A_30 : vector<2048xf32>
    %max3A = arith.constant 0.000000e+00 : f32
    %max3A_66 = vector.broadcast %max3A : f32 to vector<2048xf32>
    %max3A_67 = arith.maximumf %neg3A_65, %max3A_66 : vector<2048xf32>
    %abs3A = math.absf %neg3A_65 : vector<2048xf32>
    %neg3A_68 = arith.constant 0.000000e+00 : f32
    %neg3A_69 = vector.broadcast %neg3A_68 : f32 to vector<2048xf32>
    %neg3A_70 = arith.subf %neg3A_69, %abs3A : vector<2048xf32>
    %exp3A = math.exp %neg3A_70 : vector<2048xf32>
    %add3A_71 = arith.constant 1.000000e+00 : f32
    %add3A_72 = vector.broadcast %add3A_71 : f32 to vector<2048xf32>
    %add3A_73 = arith.addf %add3A_72, %exp3A : vector<2048xf32>
    %log3A_74 = math.log %add3A_73 : vector<2048xf32>
    %add3A_75 = arith.addf %max3A_67, %log3A_74 : vector<2048xf32>
    %reduce_sum3A_76 = vector.shape_cast %add3A_75 : vector<2048xf32> to vector<1x2048xf32>
    %reduce_sum3A_77 = arith.constant dense<0.000000e+00> : vector<1xf32>
    %reduce_sum3A_78 = vector.multi_reduction <add>, %reduce_sum3A_76, %reduce_sum3A_77 [1] : vector<1x2048xf32> to vector<1xf32>
    %reduce_sum3A_79 = vector.shape_cast %reduce_sum3A_78 : vector<1xf32> to vector<1x1xf32>
    %reduce_sum3A_80 = vector.extract %reduce_sum3A_79[0, 0] : f32 from vector<1x1xf32>
    %max3A_81 = arith.constant 0.000000e+00 : f32
    %max3A_82 = vector.broadcast %max3A_81 : f32 to vector<64x2048xf32>
    %max3A_83 = arith.maximumf %add3A_63, %max3A_82 : vector<64x2048xf32>
    %abs3A_84 = math.absf %add3A_63 : vector<64x2048xf32>
    %neg3A_85 = arith.constant 0.000000e+00 : f32
    %neg3A_86 = vector.broadcast %neg3A_85 : f32 to vector<64x2048xf32>
    %neg3A_87 = arith.subf %neg3A_86, %abs3A_84 : vector<64x2048xf32>
    %exp3A_88 = math.exp %neg3A_87 : vector<64x2048xf32>
    %add3A_89 = arith.constant 1.000000e+00 : f32
    %add3A_90 = vector.broadcast %add3A_89 : f32 to vector<64x2048xf32>
    %add3A_91 = arith.addf %add3A_90, %exp3A_88 : vector<64x2048xf32>
    %log3A_92 = math.log %add3A_91 : vector<64x2048xf32>
    %add3A_93 = arith.addf %max3A_83, %log3A_92 : vector<64x2048xf32>
    %reduce_sum3A_94 = vector.shape_cast %add3A_93 : vector<64x2048xf32> to vector<1x64x2048xf32>
    %reduce_sum3A_95 = arith.constant dense<0.000000e+00> : vector<1xf32>
    %reduce_sum3A_96 = vector.multi_reduction <add>, %reduce_sum3A_94, %reduce_sum3A_95 [1, 2] : vector<1x64x2048xf32> to vector<1xf32>
    %reduce_sum3A_97 = vector.shape_cast %reduce_sum3A_96 : vector<1xf32> to vector<1x1x1xf32>
    %reduce_sum3A_98 = vector.extract %reduce_sum3A_97[0, 0, 0] : f32 from vector<1x1x1xf32>
    %add3A_99 = arith.addf %reduce_sum3A_80, %reduce_sum3A_98 : f32
    %eq3A = arith.constant 0 : i32
    %eq3A_100 = arith.cmpi eq, %arg0, %eq3A : i32
    %convert_element_type3A_101 = arith.extui %eq3A_100 : i1 to i32
    %cond3A = arith.constant 0 : i32
    %cond3A_102 = arith.cmpi ne, %convert_element_type3A_101, %cond3A : i32
    scf.if %cond3A_102 {
      %swap3A_114 = arith.constant 0.000000e+00 : f32
      %swap3A_115 = arith.constant 0 : index
      %swap3A_116 = arith.constant 0 : index
      %swap3A_117 = memref.load %arg8[%swap3A_115, %swap3A_116] : memref<1x1xf32, #tpu.memory_space<smem>>
      memref.store %swap3A_114, %arg8[%swap3A_115, %swap3A_116] : memref<1x1xf32, #tpu.memory_space<smem>>
    } else {
    }
    %get3A_103 = arith.constant 0 : index
    %get3A_104 = arith.constant 0 : index
    %get3A_105 = memref.load %arg8[%get3A_103, %get3A_104] : memref<1x1xf32, #tpu.memory_space<smem>>
    %add3A_106 = arith.addf %get3A_105, %add3A_99 : f32
    %swap3A = arith.constant 0 : index
    %swap3A_107 = arith.constant 0 : index
    %swap3A_108 = memref.load %arg8[%swap3A, %swap3A_107] : memref<1x1xf32, #tpu.memory_space<smem>>
    memref.store %add3A_106, %arg8[%swap3A, %swap3A_107] : memref<1x1xf32, #tpu.memory_space<smem>>
    %eq3A_109 = arith.constant 7 : i32
    %eq3A_110 = arith.cmpi eq, %arg0, %eq3A_109 : i32
    %convert_element_type3A_111 = arith.extui %eq3A_110 : i1 to i32
    %cond3A_112 = arith.constant 0 : i32
    %cond3A_113 = arith.cmpi ne, %convert_element_type3A_111, %cond3A_112 : i32
    scf.if %cond3A_113 {
      %get3A_114 = arith.constant 0 : index
      %get3A_115 = arith.constant 0 : index
      %get3A_116 = memref.load %arg8[%get3A_114, %get3A_115] : memref<1x1xf32, #tpu.memory_space<smem>>
      %div3A_117 = arith.constant 1.638400e+04 : f32
      %div3A_118 = arith.divf %get3A_116, %div3A_117 : f32
      %swap3A_119 = arith.constant 0 : index
      %swap3A_120 = arith.constant 0 : index
      %swap3A_121 = memref.load %arg8[%swap3A_119, %swap3A_120] : memref<1x1xf32, #tpu.memory_space<smem>>
      memref.store %div3A_118, %arg8[%swap3A_119, %swap3A_120] : memref<1x1xf32, #tpu.memory_space<smem>>
    } else {
    }
    return
  }
  func.func @transform_0(%arg0: i32) -> (i32, i32) {
    %c0_i32 = arith.constant 0 : i32
    %c0_i32_0 = arith.constant 0 : i32
    return %c0_i32, %arg0 : i32, i32
  }
  func.func @transform_1(%arg0: i32) -> (i32, i32) {
    %c0_i32 = arith.constant 0 : i32
    %c0_i32_0 = arith.constant 0 : i32
    return %c0_i32, %arg0 : i32, i32
  }
  func.func @transform_2(%arg0: i32) -> (i32, i32, i32) {
    %c0_i32 = arith.constant 0 : i32
    %c0_i32_0 = arith.constant 0 : i32
    %c0_i32_1 = arith.constant 0 : i32
    return %arg0, %c0_i32, %c0_i32_0 : i32, i32, i32
  }
  func.func @transform_3(%arg0: i32) -> (i32, i32, i32) {
    %c0_i32 = arith.constant 0 : i32
    %c0_i32_0 = arith.constant 0 : i32
    %c0_i32_1 = arith.constant 0 : i32
    return %arg0, %c0_i32, %c0_i32_0 : i32, i32, i32
  }
  func.func @transform_4(%arg0: i32) -> (i32, i32) {
    %c0_i32 = arith.constant 0 : i32
    %c0_i32_0 = arith.constant 0 : i32
    %c0_i32_1 = arith.constant 0 : i32
    return %c0_i32, %c0_i32_0 : i32, i32
  }
  func.func @transform_5(%arg0: i32) -> (i32, i32) {
    %c0_i32 = arith.constant 0 : i32
    %c0_i32_0 = arith.constant 0 : i32
    %c0_i32_1 = arith.constant 0 : i32
    return %c0_i32, %c0_i32_0 : i32, i32
  }
  func.func @transform_6(%arg0: i32) -> (i32, i32) {
    %c0_i32 = arith.constant 0 : i32
    %c0_i32_0 = arith.constant 0 : i32
    %c0_i32_1 = arith.constant 0 : i32
    return %c0_i32, %c0_i32_0 : i32, i32
  }
  func.func @transform_7(%arg0: i32) -> (i32, i32) {
    %c0_i32 = arith.constant 0 : i32
    %c0_i32_0 = arith.constant 0 : i32
    %c0_i32_1 = arith.constant 0 : i32
    return %c0_i32, %c0_i32_0 : i32, i32
  }
}

</mosaic_0001>

<sc_bundles>
// kernel: kernel.4.cloned.1.call-start
scs
__scs_entry_jumppad:
0x0: {  	(pc) =	sbr.rel $0x88, $3  }
0x1: {  	(tag) =	ssettag $0x0;
	lr =	simm.s32 $0x1  }
0x2: {  	[smem:$0x3F9B] =	sst lr;
	_ =	strace $0xD0000000  }
0x3: {  	_ = 	snop  }
0x4: {  	_ = 	snop  }
0x5: {  	_ = 	snop  }
0x6: {  	_ = 	snop  }
0x7: {  	_ = 	snop  }
__scs_overlays_trampoline_lowered:
0x8: {  	[smem:$0x3FAA] =	sst s0  }
0x9: {  	[smem:$0x3FAB] =	sst s1  }
0xa: {  	[smem:$0x3FAC] =	sst s2  }
0xb: {  	[smem:$0x3FAD] =	sst s3  }
0xc: {  	[smem:$0x3FAE] =	sst s4  }
0xd: {  	[smem:$0x3FAF] =	sst s5  }
0xe: {  	[smem:$0x3FB0] =	sst s6  }
0xf: {  	[smem:$0x3FB1] =	sst s7  }
0x10: {  	[smem:$0x3FB2] =	sst s8  }
0x11: {  	[smem:$0x3FB3] =	sst s9;
	s0 =	simm.s32 @!p0 $0x0  }
0x12: {  	s1 =	sld [smem:$0x3F99];
	s0 =	simm.s32 @p0 $0x1  }
0x13: {  	[smem:$0x3FB4] =	sst s0;
	s0 =	simm.s32 @!p1 $0x0  }
0x14: {  	s2 =	sld [smem:$0x3F98];
	s0 =	simm.s32 @p1 $0x1  }
0x15: {  	[smem:$0x3FB5] =	sst s0;
	s0 =	simm.s32 @!p2 $0x0  }
0x16: {  	s3 =	sld [smem:$0x3FDB];
	s0 =	simm.s32 @p2 $0x1  }
0x17: {  	s4 =	simm.s32 $0x1BF5;
	[smem:$0x3FB7] =	sst s0  }
0x18: {  	s0 =	sld [smem:$0x3F9A];
	_ =	swait.ge [sflag:s4], $0x0  }
0x19: {  	s7 =	sld [smem:$0x3F9B]  }
0x1a: {  	s8 =	sadd.s32 $0xFFFFE003, lr  }
0x1b: {  	s9 =	sadd.s32 $0xFFFFFEF7, lr;
	s5 =	simm.s32 $0xFFFFFFFF;
	p2 =	slt.u32 s8, $0xFFFFF086  }
0x1c: {  	p1 =	slt.u32 s9, $0xF7A;
	s5 =	simm.s32 @!p2 $0x0  }
0x1d: {  	s5 =	simm.s32 @p1 $0x1;
	p0 =	seq.s32 s7, s2  }
0x1e: {  	s7 =	smul.u32 @!p0 $0xF7A, s2;
	p2 =	seq.s32 @!p0 s5, $0x0  }
0x1f: {  	s9 =	smul.u32 $0xF7A, s1;
	s8 =	simm.s32 @!p0 $0x1BF5;
	p2 =	por !p2, p0  }
0x20: {  	[sflag:s8] =	ssyncset.s32 @!p0 $0xFFFFF086;
	s6 =	sadd.s32 @!p0 s3, s7;
	s7 =	simm.s32 @!p0 $0x108  }
0x21: {  	s3 =	sadd.s32 s3, s9;
	s6 =	sadd.s32 @!p0 $0x88, s6;
	s7 =	simm.s32 @p2 $0x1082  }
0x22: {  	[simem:s7], [sflag:s8] =	dma.local @!p0 [hbm:s6], $0xF7A  }
0x23: {  	s9 =	sor.u32 $0xD0000000, s2;
	s6 =	simm.s32 $0x108;
	_ =	swait.ge @!p0 [sflag:s8], $0x0  }
0x24: {  	s3 =	sadd.s32 $0x88, s3;
	s6 =	simm.s32 @!p1 $0x1082;
	[sflag:s4] =	ssyncset.s32 $0xFFFFF086  }
0x25: {  	[simem:s6], [sflag:s4] =	dma.local [hbm:s3], $0xF7A  }
0x26: {  	[smem:$0x3F9B] =	sst s1;
	(tag) =	ssettag s2;
	_ =	strace s9  }
0x27: {  	s1 =	sld [smem:$0x3FAB]  }
0x28: {  	s2 =	sld [smem:$0x3FAC]  }
0x29: {  	s4 =	sld [smem:$0x3FAE]  }
0x2a: {  	p0 =	seq.s32 s5, $0x0;
	s5 =	sld [smem:$0x3FAF]  }
0x2b: {  	s6 =	sld [smem:$0x3FB0]  }
0x2c: {  	s7 =	sld [smem:$0x3FB1]  }
0x2d: {  	s3 =	simm.s32 $0x108;
	s8 =	sld [smem:$0x3FB2]  }
0x2e: {  	s3 =	simm.s32 @!p0 $0x1082;
	s9 =	sld [smem:$0x3FB3]  }
0x2f: {  	lr =	sadd.s32 s0, s3;
	s0 =	sld [smem:$0x3FAA]  }
0x30: {  	s3 =	sld [smem:$0x3FAD]  }
0x31: {  	[smem:$0x3FB6] =	sst s10  }
0x32: {  	s10 =	sld [smem:$0x3FB4];
	_ =	sdelay $0x3  }
0x33: {  	p0 =	seq.s32 s10, $0x1;
	s10 =	sld [smem:$0x3FB6];
	_ =	sdelay $0x3  }
0x34: {  	[smem:$0x3FB6] =	sst s10  }
0x35: {  	s10 =	sld [smem:$0x3FB5];
	_ =	sdelay $0x3  }
0x36: {  	p1 =	seq.s32 s10, $0x1;
	s10 =	sld [smem:$0x3FB6];
	_ =	sdelay $0x3  }
0x37: {  	[smem:$0x3FB6] =	sst s10  }
0x38: {  	s10 =	sld [smem:$0x3FB7]  }
0x39: {  	_ = 	snop;
	(pc) =	sbr.ind lr, $3  }
0x3a: {  	_ = 	snop  }
0x3b: {  	_ = 	snop  }
0x3c: {  	p2 =	seq.s32 s10, $0x1;
	s10 =	sld [smem:$0x3FB6]  }
0x3d: {  	_ =	shalt  }
0x3e: {  	_ =	shalt  }
0x3f: {  	_ =	shalt  }
0x40: {  	_ =	shalt  }
0x41: {  	_ =	shalt  }
0x42: {  	_ =	shalt  }
0x43: {  	_ =	shalt  }
0x44: {  	_ =	shalt  }
0x45: {  	_ =	shalt  }
0x46: {  	_ =	shalt  }
0x47: {  	_ =	shalt  }
0x48: {  	_ =	shalt  }
0x49: {  	_ =	shalt  }
0x4a: {  	_ =	shalt  }
0x4b: {  	_ =	shalt  }
0x4c: {  	_ =	shalt  }
0x4d: {  	_ =	shalt  }
0x4e: {  	_ =	shalt  }
0x4f: {  	_ =	shalt  }
0x50: {  	_ =	shalt  }
0x51: {  	_ =	shalt  }
0x52: {  	_ =	shalt  }
0x53: {  	_ =	shalt  }
0x54: {  	_ =	shalt  }
0x55: {  	_ =	shalt  }
0x56: {  	_ =	shalt  }
0x57: {  	_ =	shalt  }
0x58: {  	_ =	shalt  }
0x59: {  	_ =	shalt  }
0x5a: {  	_ =	shalt  }
0x5b: {  	_ =	shalt  }
0x5c: {  	_ =	shalt  }
0x5d: {  	_ =	shalt  }
0x5e: {  	_ =	shalt  }
0x5f: {  	_ =	shalt  }
0x60: {  	_ =	shalt  }
0x61: {  	_ =	shalt  }
0x62: {  	_ =	shalt  }
0x63: {  	_ =	shalt  }
0x64: {  	_ =	shalt  }
0x65: {  	_ =	shalt  }
0x66: {  	_ =	shalt  }
0x67: {  	_ =	shalt  }
0x68: {  	_ =	shalt  }
0x69: {  	_ =	shalt  }
0x6a: {  	_ =	shalt  }
0x6b: {  	_ =	shalt  }
0x6c: {  	_ =	shalt  }
0x6d: {  	_ =	shalt  }
0x6e: {  	_ =	shalt  }
0x6f: {  	_ =	shalt  }
0x70: {  	_ =	shalt  }
0x71: {  	_ =	shalt  }
0x72: {  	_ =	shalt  }
0x73: {  	_ =	shalt  }
0x74: {  	_ =	shalt  }
0x75: {  	_ =	shalt  }
0x76: {  	_ =	shalt  }
0x77: {  	_ =	shalt  }
0x78: {  	_ =	shalt  }
0x79: {  	_ =	shalt  }
0x7a: {  	_ =	shalt  }
0x7b: {  	_ =	shalt  }
0x7c: {  	_ =	shalt  }
0x7d: {  	_ =	shalt  }
0x7e: {  	_ =	shalt  }
0x7f: {  	_ =	shalt  }
0x80: {  	_ =	shalt  }
0x81: {  	_ =	shalt  }
0x82: {  	_ =	shalt  }
0x83: {  	_ =	shalt  }
0x84: {  	_ =	shalt  }
0x85: {  	_ =	shalt  }
0x86: {  	_ =	shalt  }
0x87: {  	_ =	shalt  }
.Lfunc_end0:
.L_simem_size_0:
called_computation_lowered:
.L_overlay_start_0:
0x88: {  	s2 =	sld [smem:$0x3FD9]  }
0x89: {  	s3 =	sld [smem:$0x3FFE];
	_ =	sdelay $0x1  }
0x8a: {  	s1 =	srdreg.scid  }
0x8b: {  	s0 =	sand.u32 $0x1, s1  }
0x8c: {  	s14 =	sshll.u32 s0, $0xA;
	s2 =	sadd.s32 s3, s2  }
0x8d: {  	s2 =	sadd.s32 s2, s14  }
0x8e: {  	[smem:$0x3FC2] =	sst s2  }
0x8f: {  	_ = 	snop  }
0x90: {  	s2 =	sld [smem:$0x3FC8]  }
0x91: {  	s15 =	sld [smem:$0x3FC7]  }
0x92: {  	s4 =	sld [smem:$0x3FD0]  }
0x93: {  	s5 =	sld [smem:$0x3FC6]  }
0x94: {  	s6 =	sld [smem:$0x3FC5]  }
0x95: {  	s8 =	simm.s32 $0xA;
	s9 =	simm.s32 $0x10;
	s7 =	sld [smem:$0x3FC4]  }
0x96: {  	[smem:s9], [sflag:s8] =	dma.local [hbm:s4], $0x1  }
0x97: {  	_ =	swait.eq [sflag:s8], $0x1  }
0x98: {  	[sflag:s8] =	ssyncset.done $0x0  }
0x99: {  	s16 =	sld [smem:$0x10];
	[sflag:s8] =	ssyncadd.s32 $0xFFFFFFFF  }
0x9a: {  	s17 =	sld [smem:$0x11];
	(tm) =	ssettm $0x1  }
0x9b: {  	s18 =	sld [smem:$0x3FFB];
	_ =	sdelay $0x3  }
0x9c: {  	_ =	strace s18  }
0x9d: {  	s9 =	sld [smem:$0x3FFC];
	_ =	sdelay $0x3  }
0x9e: {  	_ =	strace s9  }
0x9f: {  	s9 =	sld [smem:$0x3FFD];
	_ =	sdelay $0x3  }
0xa0: {  	_ =	strace s9  }
0xa1: {  	_ =	strace $0x8FFFFFFF  }
0xa2: {  	s19 =	sld [smem:$0x3FDB];
	_ =	sdelay $0x1  }
0xa3: {  	s10 =	simm.s32 $_scs_section_size  }
0xa4: {  	s11 =	simm.s32 $_size__tile_overlayer_lowered;
	s12 =	simm.s32 $_tile_overlayer_lowered  }
0xa5: {  	s22 =	simm.s32 $0x1BFF;
	s21 =	sshll.u32 s12, $0x1;
	s9 =	sadd.s32 s10, s19  }
0xa6: {  	s13 =	simm.s32 $0x0;
	s20 =	sshll.u32 s11, $0x1;
	s11 =	sadd.s32 s21, s9  }
0xa7: {  	[timem:s13], [sflag:s22] =	dma.local [hbm:s11], s20  }
0xa8: {  	_ =	swait.ge [sflag:s22], s20  }
0xa9: {  	s10 =	ssub.s32 $0x0, s20;
	[sflag:s22] =	ssyncset.done $0x0  }
0xaa: {  	[sflag:s22] =	ssyncadd.s32 s10;
	_ =	sdelay $0x1  }
0xab: {  	s23 =	simm.s32 $0x1B8B  }
0xac: {  	_ =	swait.ge [sflag:s23], $0x1  }
0xad: {  	[sflag:s23] =	ssyncset.done $0x0  }
0xae: {  	s25 =	simm.s32 $0x1B8E;
	s24 =	sld [smem:$0x3FFE];
	[sflag:s23] =	ssyncadd.s32 $0xFFFFFFFF  }
0xaf: {  	s26 =	simm.s32 $execute0_lowered;
	[smem:$0x3FD2] =	sst s25  }
0xb0: {  	s11 =	sshll.u32 s26, $0x1;
	_ =	strace $0x80000046;
	[dreg:$0x1] =	wrdreg $0xFFFFFFFF  }
0xb1: {  	s28 =	simm.s32 $_size_execute0_lowered;
	s9 =	sadd.s32 s9, s11;
	[dreg:$0x0] =	wrdreg $0x0  }
0xb2: {  	s11 =	sshll.u32 s28, $0x1;
	[dreg:$0x2] =	wrdreg s9  }
0xb3: {  	[dreg:$0x3] =	wrdreg s11  }
0xb4: {  	[dreg:$0x4] =	wrdreg $0xC0  }
0xb5: {  	_ =	task [dreg:s13], $0x5FFFF  }
0xb6: {  	[dreg:$0x1] =	wrdreg $0xFFFFFFFF  }
0xb7: {  	[dreg:$0x0] =	wrdreg $0x60  }
0xb8: {  	[dreg:$0x2] =	wrdreg s5  }
0xb9: {  	[dreg:$0x3] =	wrdreg s6  }
0xba: {  	[dreg:$0x4] =	wrdreg s7  }
0xbb: {  	[dreg:$0x5] =	wrdreg s24  }
0xbc: {  	[dreg:$0x6] =	wrdreg s2  }
0xbd: {  	[dreg:$0x7] =	wrdreg s15  }
0xbe: {  	[dreg:$0x8] =	wrdreg s16  }
0xbf: {  	[dreg:$0x9] =	wrdreg s17  }
0xc0: {  	[dreg:$0xa] =	wrdreg $0x9  }
0xc1: {  	_ =	task.clear_ibuf [dreg:s13], $0xBFFFF;
	_ =	strace $0x90000046  }
0xc2: {  	s29 =	simm.s32 $0x9;
	_ =	strace $0x80000048  }
0xc3: {  	_ =	swait.ge [sflag:s29], $0x1  }
0xc4: {  	[sflag:s29] =	ssyncadd.s32 $0xFFFFFFFF  }
0xc5: {  	_ =	strace $0x90000048  }
0xc6: {  	_ =	sfence  }
0xc7: {  	s30 =	sld [smem:$0x0];
	_ =	sdelay $0x2  }
0xc8: {  	s31 =	sshll.u32 s1, $0xD;
	s1 =	sshrl.u32 s1, $0x2  }
0xc9: {  	s3 =	sand.u32 $0x4000, s31;
	s1 =	sadd.s32 s1, s30  }
0xca: {  	s0 =	sor.u32 s3, s0;
	s1 =	sshll.u32 s1, $0x11  }
0xcb: {  	s0 =	sor.u32 s1, s0  }
0xcc: {  	s0 =	sadd.s32 $0x8F2B, s0  }
0xcd: {  	[sflag:s0] =	ssyncadd.remote.s32 $0x1  }
0xce: {  	_ =	sfence.sel $0xFFFF  }
0xcf: {  	[dreg:$0x0] =	wrdreg $0xFFFFFFFF;
	(pc) =	sbr.abs _section_cstart, $3  }
0xd0: {  	[dreg:$0x1] =	wrdreg $0xFFFFFFFF  }
0xd1: {  	_ =	task.clear_ibuf [dreg:s13], $0x2FFFF;
	_ =	strace $0x9FFFFFFF  }
0xd2: {  	(tm) =	ssettm $0x7FFFFFFF  }
0xd3: {  	_ =	shalt  }
tec
execute0_lowered:
.L_overlay_start_1:
0x0: {  	(tag) =	ssettag $0x1  }
0x1: {  	s0 =	rddreg [dreg:$0x0]  }
0x2: {  	s2 =	rddreg [dreg:$0x1]  }
0x3: {  	s1 =	rddreg [dreg:$0x2]  }
0x4: {  	s3 =	rddreg [dreg:$0x3]  }
0x5: {  	s16 =	rddreg [dreg:$0x4]  }
0x6: {  	s4 =	rddreg [dreg:$0x6]  }
0x7: {  	s5 =	srdreg.scid;
	s8 =	stileid.u32  }
0x8: {  	s6 =	simm.s32 $0x0;
	s28 =	simm.s32 $0x5;
	s29 =	simm.s32 $0x80  }
0x9: {  	s30 =	simm.s32 $0x400;
	s31 =	simm.s32 $0x18700;
	s5 =	sand.u32 $0x1, s5  }
0xa: {  	s7 =	sshll.u32 s8, $0x1;
	[smem:$0x7FF] =	sst s6;
	s13 =	sshrl.u32 s8, $0x1  }
0xb: {  	s8 =	sadd.s32 $0x1E00, s3;
	s20 =	sadd.s32 $0x2600, s3;
	s11 =	sadd.s32 $0x400, s16  }
0xc: {  	s12 =	sor.u32 s5, s7;
	_ =	strace $0x80000047;
	s7 =	sadd.s32 $0x1600, s3  }
0xd: {  	s9 =	sshll.u32 s13, $0xA;
	s5 =	ssub.s32 $0x2, s5;
	s15 =	smul.u32 $0xC3800, s13  }
0xe: {  	s13 =	sshll.u32 s13, $0x11;
	s22 =	sshll.u32 s12, $0x8;
	s23 =	sshrl.u32 s5, $0x1  }
0xf: {  	p0 =	seq.s32 s12, $0x2;
	p3 =	seq.s32 s12, $0x0;
	p2 =	sgt.s32 s12, $0x1  }
0x10: {  	p5 =	sne.s32 s12, $0x0;
	s14 =	sand.u32 $0x300, s22;
	s5 =	ssub.s32 s5, s23  }
0x11: {  	p1 =	seq.s32 @!p0 s12, $0x3;
	s23 =	sadd.s32 $0x22A00, s3;
	s10 =	sor.u32 s9, s14  }
0x12: {  	s24 =	sor.u32 s15, s14;
	s17 =	sor.u32 $0x80, s14;
	s25 =	sor.u32 s13, s14  }
0x13: {  	s10 =	sshrl.u32 s10, $0x3;
	s15 =	sor.u32 s15, s17;
	s17 =	sor.u32 s13, s17  }
0x14: {  	s21 =	sadd.s32 s10, s3;
	s10 =	sadd.s32 $0x600, s16;
	s16 =	sadd.s32 $0x200, s16  }
0x15: {  	s18 =	sshrl.u32 s15, $0x3;
	[dreg:$0x9] =	wrdreg s16;
	s16 =	sshrl.u32 s24, $0x3  }
0x16: {  	s14 =	sadd.s32 s0, s18;
	s13 =	sadd.s32 s0, s16;
	s0 =	simm.s32 @!p2 $0x0  }
0x17: {  	s9 =	sadd.s32 $0x22600, s3;
	p4 =	por p1, p0;
	s0 =	simm.s32 @p2 $0x1  }
0x18: {  	s26 =	sshrl.u32 s25, $0x3;
	[smem:$0x7F6] =	sst s0;
	s0 =	simm.s32 @!p5 $0x0  }
0x19: {  	p4 =	seq.s32 @!p4 s12, $0x4;
	s25 =	smax.u32 s5, $0x1;
	s0 =	simm.s32 @p5 $0x1  }
0x1a: {  	p2 =	seq.s32 @!p3 s12, $0x1;
	[smem:$0x7F7] =	sst s0;
	s0 =	simm.s32 @!p3 $0x0  }
0x1b: {  	s22 =	sshrl.u32 s17, $0x3;
	p2 =	por !p2, p3;
	s0 =	simm.s32 @p3 $0x1  }
0x1c: {  	s17 =	sadd.s32 s4, s26;
	[smem:$0x7F8] =	sst s0;
	s0 =	simm.s32 @!p2 $0x0  }
0x1d: {  	p4 =	por @!p0 !p4, p1;
	p1 =	por !p1, p0;
	s0 =	simm.s32 @p2 $0x1  }
0x1e: {  	s19 =	sadd.s32 s20, s26;
	[smem:$0x7F9] =	sst s0;
	s0 =	simm.s32 @!p1 $0x0  }
0x1f: {  	s20 =	sadd.s32 s20, s22;
	s0 =	simm.s32 @p1 $0x1;
	p1 =	por p4, p0  }
0x20: {  	s21 =	sadd.s32 $0x22E00, s21;
	[smem:$0x7FA] =	sst s0;
	s0 =	simm.s32 @!p1 $0x0  }
0x21: {  	s24 =	sadd.s32 $0x22C00, s3;
	s15 =	sadd.s32 s2, s16;
	s0 =	simm.s32 @p1 $0x1  }
0x22: {  	s16 =	sadd.s32 s2, s18;
	[smem:$0x7FB] =	sst s0;
	s0 =	simm.s32 @!p0 $0x0  }
0x23: {  	s18 =	sadd.s32 s4, s22;
	s0 =	simm.s32 @p0 $0x1;
	p0 =	por !p4, p0  }
0x24: {  	s22 =	sadd.s32 $0x22800, s3;
	[smem:$0x7FC] =	sst s0;
	s0 =	simm.s32 @!p0 $0x0  }
0x25: {  	s4 =	simm.s32 $0x1;
	s2 =	simm.s32 $0x3;
	s0 =	simm.s32 @p0 $0x1  }
0x26: {  	s3 =	simm.s32 $0x0;
	[smem:$0x7FD] =	sst s0;
	s0 =	simm.s32 $0x2  }
.LBB2_1:
0x27: {  	s5 =	rddreg [dreg:$0x5];
	s12 =	simm.s32 $0x1E700  }
0x28: {  	[tilespmem:s12], [sflag:$0x5] =	stream.linear.gather [hbm4b:s5+s6], $0x80, $0x38;
	[tilespmem:$0x1E900] =	vst v63  }
0x29: {  	_ =	swait.ge [sflag:s28], $0x80  }
0x2a: {  	s26 =	sld [smem:$0x7F6];
	_ =	sdelay $0x2  }
0x2b: {  	p0 =	seq.s32 s26, $0x1  }
.Ltmp0:
0x2c: {  	_ = 	snop;
	(pc) =	sbr.rel @!p0 .LBB2_2-.Ltmp0, $3  }
0x2d: {  	_ =	sdelay $0x1  }
0x2e: {  	[sflag:s28] =	ssyncset.done $0x0  }
0x2f: {  	[sflag:s28] =	ssyncadd.s32 $0xFFFFFF80  }
0x30: {  	s5 =	sld [smem:$0x7FC];
	_ =	sdelay $0x2  }
0x31: {  	p6 =	seq.s32 s5, $0x1  }
0x32: {  	s5 =	simm.s32 @p6 $0x0;
	s12 =	simm.s32 @p6 $0x1C700  }
0x33: {  	[tilespmem:s12], [sflag:$0x5] =	stream.linear.gather @p6 [hbm4b:s11+s5], $0x1000, $0x38;
	[tilespmem:$0x1E900] =	vst v63  }
0x34: {  	s5 =	simm.s32 @p6 $0x5  }
0x35: {  	_ =	swait.ge @p6 [sflag:s5], $0x1000  }
0x36: {  	[sflag:s5] =	ssyncset.done @p6 $0x0  }
0x37: {  	s26 =	simm.s32 @p6 $0x1D700;
	[sflag:s5] =	ssyncadd.s32 @p6 $0xFFFFF000;
	s5 =	simm.s32 @p6 $0x1000  }
0x38: {  	[tilespmem:s26], [sflag:$0x4] =	stream.indirect.gather @p6 [hbm4b:s1+s5], $0x1, s12, s5, $0xb8;
	[tilespmem:$0x1E900] =	vst v63  }
0x39: {  	s26 =	sld [smem:$0x7FA];
	_ =	sdelay $0x2  }
0x3a: {  	p4 =	seq.s32 s26, $0x1  }
0x3b: {  	s5 =	simm.s32 @!p4 $0x0;
	s12 =	simm.s32 @!p4 $0x1C700  }
0x3c: {  	[tilespmem:s12], [sflag:$0x5] =	stream.linear.gather @!p4 [hbm4b:s10+s5], $0x1000, $0x38;
	[tilespmem:$0x1E900] =	vst v63  }
0x3d: {  	s5 =	simm.s32 @!p4 $0x5  }
0x3e: {  	_ =	swait.ge @!p4 [sflag:s5], $0x1000  }
0x3f: {  	[sflag:s5] =	ssyncset.done @!p4 $0x0  }
0x40: {  	s26 =	simm.s32 @!p4 $0x1D700;
	[sflag:s5] =	ssyncadd.s32 @!p4 $0xFFFFF000;
	s5 =	simm.s32 @!p4 $0x1000  }
0x41: {  	[tilespmem:s26], [sflag:$0x4] =	stream.indirect.gather @!p4 [hbm4b:s1+s5], $0x1, s12, s5, $0xb8;
	[tilespmem:$0x1E900] =	vst v63  }
0x42: {  	s12 =	sld [smem:$0x7FB];
	_ =	sdelay $0x2  }
0x43: {  	p0 =	seq.s32 s12, $0x1  }
0x44: {  	s5 =	simm.s32 @!p0 $0x40;
	s12 =	simm.s32 @!p0 $0x1E700;
	s26 =	simm.s32 @!p0 $0x1E880  }
0x45: {  	[tilespmem:s26], [sflag:$0x4] =	stream.indirect.gather @!p0 [hbm4b:s1+s5], $0x1, s12, s5, $0xb8;
	[tilespmem:$0x1E900] =	vst v63  }
0x46: {  	s26 =	sld [smem:$0x7FD];
	_ =	sdelay $0x1  }
0x47: {  	p3 =	por $0x0, $0x0  }
0x48: {  	p5 =	por @!p0 $0x0, $0x0;
	p1 =	por @!p0 $0x1, $0x1;
	p0 =	seq.s32 s26, $0x1  }
0x49: {  	p2 =	por @!p4 $0x0, $0x0;
	p5 =	por @!p0 p3, p3;
	p1 =	por @!p0 p3, p3  }
.Ltmp1:
0x4a: {  	p3 =	por @!p4 $0x1, $0x1;
	p0 =	por p5, p5;
	(pc) =	sbr.rel .LBB2_4-.Ltmp1, $4  }
0x4b: {  	p1 =	por @!p4 p2, p2;
	p5 =	por @!p4 p3, p3;
	p3 =	por @p6 $0x0, $0x0  }
0x4c: {  	p0 =	por @!p4 p2, p2;
	p2 =	por @p6 $0x0, $0x0;
	p4 =	por @p6 $0x1, $0x1  }
0x4d: {  	p3 =	por @!p6 p1, p1;
	p1 =	por @p6 $0x0, $0x0;
	p2 =	por @!p6 p5, p5  }
0x4e: {  	p4 =	por @!p6 p0, p0;
	p1 =	por @!p6 p0, p0;
	p6 =	por p2, p2  }
.LBB2_2:
0x4f: {  	s5 =	sld [smem:$0x7F8];
	_ =	sdelay $0x2  }
0x50: {  	p0 =	seq.s32 s5, $0x1  }
0x51: {  	s26 =	rddreg [dreg:$0x4];
	s5 =	simm.s32 @p0 $0x0;
	s12 =	simm.s32 @p0 $0x1C700  }
0x52: {  	[tilespmem:s12], [sflag:$0x5] =	stream.linear.gather @p0 [hbm4b:s26+s5], $0x1000, $0x38;
	[tilespmem:$0x1E900] =	vst v63  }
0x53: {  	s5 =	simm.s32 @p0 $0x5  }
0x54: {  	_ =	swait.ge @p0 [sflag:s5], $0x1000  }
0x55: {  	[sflag:s5] =	ssyncset.done @p0 $0x0  }
0x56: {  	s26 =	simm.s32 @p0 $0x1D700;
	[sflag:s5] =	ssyncadd.s32 @p0 $0xFFFFF000;
	s5 =	simm.s32 @p0 $0x1000  }
0x57: {  	[tilespmem:s26], [sflag:$0x4] =	stream.indirect.gather @p0 [hbm4b:s1+s5], $0x1, s12, s5, $0xb8;
	[tilespmem:$0x1E900] =	vst v63  }
0x58: {  	s26 =	sld [smem:$0x7F9];
	_ =	sdelay $0x2  }
0x59: {  	p5 =	por $0x0, $0x0;
	p4 =	por $0x0, $0x0;
	p3 =	seq.s32 s26, $0x1  }
0x5a: {  	s26 =	rddreg [dreg:$0x9];
	s5 =	simm.s32 @!p3 $0x0;
	s12 =	simm.s32 @!p3 $0x1C700  }
0x5b: {  	[tilespmem:s12], [sflag:$0x5] =	stream.linear.gather @!p3 [hbm4b:s26+s5], $0x1000, $0x38;
	[tilespmem:$0x1E900] =	vst v63  }
0x5c: {  	p6 =	por @p0 $0x0, $0x0;
	p1 =	por @!p3 $0x0, $0x0;
	s5 =	simm.s32 @!p3 $0x5  }
0x5d: {  	p2 =	por @!p3 $0x1, $0x1;
	s26 =	simm.s32 @!p3 $0x1D700;
	_ =	swait.ge @!p3 [sflag:s5], $0x1000  }
0x5e: {  	p5 =	por @!p3 p1, p1;
	p4 =	por @!p3 p2, p2;
	[sflag:s5] =	ssyncset.done @!p3 $0x0  }
0x5f: {  	p1 =	por @p0 $0x0, $0x0;
	[sflag:s5] =	ssyncadd.s32 @!p3 $0xFFFFF000;
	s5 =	simm.s32 @!p3 $0x1000  }
0x60: {  	[tilespmem:s26], [sflag:$0x4] =	stream.indirect.gather @!p3 [hbm4b:s1+s5], $0x1, s12, s5, $0xb8;
	[tilespmem:$0x1E900] =	vst v63  }
0x61: {  	p1 =	por @!p0 p4, p4;
	p4 =	por @p0 $0x0, $0x0;
	p3 =	por @p0 $0x0, $0x0  }
0x62: {  	p6 =	por @!p0 p5, p5;
	p4 =	por @!p0 p5, p5;
	p3 =	por @!p0 p5, p5  }
.LBB2_4:
0x63: {  	[tilespmem:s6], [sflag:$0x1] =	stream.strided.gather [hbm4b:s13+s29], $0x18700, s30, s29, $0x38;
	[tilespmem:$0x1E900] =	vst v63  }
0x64: {  	_ = 	snop  }
0x65: {  	[tilespmem:s31], [sflag:$0x2] =	stream.linear.gather [hbm4b:s7+s6], $0x4000, $0x38;
	[tilespmem:$0x1E900] =	vst v63  }
0x66: {  	_ =	swait.ge [sflag:s0], $0x4000  }
0x67: {  	[sflag:s0] =	ssyncset.done $0x0  }
0x68: {  	[sflag:s0] =	ssyncadd.s32 $0xFFFFC000  }
0x69: {  	_ =	swait.ge [sflag:s4], $0x18700  }
0x6a: {  	[sflag:s4] =	ssyncset.done $0x0  }
0x6b: {  	s5 =	simm.s32 $0x18780;
	[sflag:s4] =	ssyncadd.s32 $0xFFFE7900  }
0x6c: {  	v0 =	vld [tilespmem:s5+$0xFFFFFF80];
	_ =	sdelay $0x5  }
0x6d: {  	v1 =	vld [tilespmem:s5+$0xFFFFFF90];
	_ =	sdelay $0x1  }
0x6e: {  	v0 =	vld.idx.msk [tilespmem:v0+s6+$0x0], $0xffff;
	_ =	sdelay $0x4  }
0x6f: {  	[tilespmem:s5+$0xFFFFFF80] =	vst v0;
	v0 =	vld [tilespmem:s5+$0xFFFFFFA0]  }
0x70: {  	v1 =	vld.idx.msk [tilespmem:v1+s6+$0x0], $0xffff;
	_ =	sdelay $0x4  }
0x71: {  	[tilespmem:s5+$0xFFFFFF90] =	vst v1;
	v1 =	vld [tilespmem:s5+$0xFFFFFFB0];
	_ =	sdelay $0x1  }
0x72: {  	v0 =	vld.idx.msk [tilespmem:v0+s6+$0x0], $0xffff;
	_ =	sdelay $0x4  }
0x73: {  	[tilespmem:s5+$0xFFFFFFA0] =	vst v0;
	v0 =	vld [tilespmem:s5+$0xFFFFFFC0]  }
0x74: {  	v1 =	vld.idx.msk [tilespmem:v1+s6+$0x0], $0xffff;
	_ =	sdelay $0x4  }
0x75: {  	[tilespmem:s5+$0xFFFFFFB0] =	vst v1;
	v1 =	vld [tilespmem:s5+$0xFFFFFFD0];
	_ =	sdelay $0x1  }
0x76: {  	v0 =	vld.idx.msk [tilespmem:v0+s6+$0x0], $0xffff;
	_ =	sdelay $0x4  }
0x77: {  	[tilespmem:s5+$0xFFFFFFC0] =	vst v0;
	v0 =	vld [tilespmem:s5+$0xFFFFFFE0]  }
0x78: {  	v1 =	vld.idx.msk [tilespmem:v1+s6+$0x0], $0xffff;
	_ =	sdelay $0x4  }
0x79: {  	[tilespmem:s5+$0xFFFFFFD0] =	vst v1;
	v1 =	vld [tilespmem:s5+$0xFFFFFFF0];
	_ =	sdelay $0x1  }
0x7a: {  	v0 =	vld.idx.msk [tilespmem:v0+s6+$0x0], $0xffff;
	_ =	sdelay $0x4  }
0x7b: {  	[tilespmem:s5+$0xFFFFFFE0] =	vst v0;
	v0 =	vld [tilespmem:s5+$0x0]  }
0x7c: {  	v1 =	vld.idx.msk [tilespmem:v1+s6+$0x0], $0xffff;
	_ =	sdelay $0x4  }
0x7d: {  	[tilespmem:s5+$0xFFFFFFF0] =	vst v1;
	v1 =	vld [tilespmem:s5+$0x10];
	_ =	sdelay $0x1  }
0x7e: {  	v0 =	vld.idx.msk [tilespmem:v0+s6+$0x0], $0xffff;
	_ =	sdelay $0x4  }
0x7f: {  	[tilespmem:s5+$0x0] =	vst v0;
	v0 =	vld [tilespmem:s5+$0x20]  }
0x80: {  	v1 =	vld.idx.msk [tilespmem:v1+s6+$0x0], $0xffff;
	_ =	sdelay $0x4  }
0x81: {  	[tilespmem:s5+$0x10] =	vst v1;
	v1 =	vld [tilespmem:s5+$0x30];
	_ =	sdelay $0x1  }
0x82: {  	v0 =	vld.idx.msk [tilespmem:v0+s6+$0x0], $0xffff;
	_ =	sdelay $0x4  }
0x83: {  	[tilespmem:s5+$0x20] =	vst v0;
	v0 =	vld [tilespmem:s5+$0x40]  }
0x84: {  	v1 =	vld.idx.msk [tilespmem:v1+s6+$0x0], $0xffff;
	_ =	sdelay $0x4  }
0x85: {  	[tilespmem:s5+$0x30] =	vst v1;
	v1 =	vld [tilespmem:s5+$0x50];
	_ =	sdelay $0x1  }
0x86: {  	v0 =	vld.idx.msk [tilespmem:v0+s6+$0x0], $0xffff;
	_ =	sdelay $0x4  }
0x87: {  	v2 =	vld [tilespmem:s5+$0x60];
	[tilespmem:s5+$0x40] =	vst v0  }
0x88: {  	v0 =	vld.idx.msk [tilespmem:v1+s6+$0x0], $0xffff;
	_ =	sdelay $0x4  }
0x89: {  	[tilespmem:s5+$0x50] =	vst v0;
	v0 =	vld [tilespmem:s5+$0x70];
	_ =	sdelay $0x1  }
0x8a: {  	v1 =	vld.idx.msk [tilespmem:v2+s6+$0x0], $0xffff;
	_ =	sdelay $0x3  }
0x8b: {  	s26 =	simm.s32 $0x0;
	s12 =	simm.s32 $0x18880  }
.LBB2_5:
0x8c: {  	v2 =	vld [tilespmem:s12+$0xFFFFFF80];
	s26 =	sadd.s32 $0x10, s26;
	[tilespmem:s5+$0x60] =	vst v1  }
0x8d: {  	p5 =	slt.u32 s26, $0x3F0;
	v0 =	vld.idx.msk [tilespmem:v0+s6+$0x0], $0xffff;
	_ =	sdelay $0x5  }
0x8e: {  	v1 =	vld [tilespmem:s12+$0xFFFFFF90];
	[tilespmem:s5+$0x70] =	vst v0;
	s5 =	smov.u32 s12  }
0x8f: {  	v0 =	vld.idx.msk [tilespmem:v2+s6+$0x0], $0xffff;
	_ =	sdelay $0x5  }
0x90: {  	[tilespmem:s12+$0xFFFFFF80] =	vst v0;
	v0 =	vld [tilespmem:s12+$0xFFFFFFA0]  }
0x91: {  	v1 =	vld.idx.msk [tilespmem:v1+s6+$0x0], $0xffff;
	_ =	sdelay $0x5  }
0x92: {  	[tilespmem:s12+$0xFFFFFF90] =	vst v1;
	v1 =	vld [tilespmem:s12+$0xFFFFFFB0]  }
0x93: {  	v0 =	vld.idx.msk [tilespmem:v0+s6+$0x0], $0xffff;
	_ =	sdelay $0x5  }
0x94: {  	[tilespmem:s12+$0xFFFFFFA0] =	vst v0;
	v0 =	vld [tilespmem:s12+$0xFFFFFFC0]  }
0x95: {  	v1 =	vld.idx.msk [tilespmem:v1+s6+$0x0], $0xffff;
	_ =	sdelay $0x5  }
0x96: {  	[tilespmem:s12+$0xFFFFFFB0] =	vst v1;
	v1 =	vld [tilespmem:s12+$0xFFFFFFD0]  }
0x97: {  	v0 =	vld.idx.msk [tilespmem:v0+s6+$0x0], $0xffff;
	_ =	sdelay $0x5  }
0x98: {  	[tilespmem:s12+$0xFFFFFFC0] =	vst v0;
	v0 =	vld [tilespmem:s12+$0xFFFFFFE0]  }
0x99: {  	v1 =	vld.idx.msk [tilespmem:v1+s6+$0x0], $0xffff;
	_ =	sdelay $0x5  }
0x9a: {  	[tilespmem:s12+$0xFFFFFFD0] =	vst v1;
	v1 =	vld [tilespmem:s12+$0xFFFFFFF0]  }
0x9b: {  	v0 =	vld.idx.msk [tilespmem:v0+s6+$0x0], $0xffff;
	_ =	sdelay $0x5  }
0x9c: {  	[tilespmem:s12+$0xFFFFFFE0] =	vst v0;
	v0 =	vld [tilespmem:s12+$0x0]  }
0x9d: {  	v1 =	vld.idx.msk [tilespmem:v1+s6+$0x0], $0xffff;
	_ =	sdelay $0x5  }
0x9e: {  	[tilespmem:s12+$0xFFFFFFF0] =	vst v1;
	v1 =	vld [tilespmem:s12+$0x10]  }
0x9f: {  	v0 =	vld.idx.msk [tilespmem:v0+s6+$0x0], $0xffff;
	_ =	sdelay $0x5  }
0xa0: {  	[tilespmem:s12+$0x0] =	vst v0;
	v0 =	vld [tilespmem:s12+$0x20]  }
0xa1: {  	v1 =	vld.idx.msk [tilespmem:v1+s6+$0x0], $0xffff;
	_ =	sdelay $0x5  }
0xa2: {  	[tilespmem:s12+$0x10] =	vst v1;
	v1 =	vld [tilespmem:s12+$0x30]  }
0xa3: {  	v0 =	vld.idx.msk [tilespmem:v0+s6+$0x0], $0xffff;
	_ =	sdelay $0x5  }
0xa4: {  	[tilespmem:s12+$0x20] =	vst v0;
	v0 =	vld [tilespmem:s12+$0x40]  }
0xa5: {  	v1 =	vld.idx.msk [tilespmem:v1+s6+$0x0], $0xffff;
	_ =	sdelay $0x5  }
0xa6: {  	[tilespmem:s12+$0x30] =	vst v1;
	v1 =	vld [tilespmem:s12+$0x50]  }
0xa7: {  	v0 =	vld.idx.msk [tilespmem:v0+s6+$0x0], $0xffff;
	_ =	sdelay $0x5  }
0xa8: {  	[tilespmem:s12+$0x40] =	vst v0;
	v2 =	vld [tilespmem:s12+$0x60]  }
0xa9: {  	v0 =	vld.idx.msk [tilespmem:v1+s6+$0x0], $0xffff;
	_ =	sdelay $0x5  }
0xaa: {  	[tilespmem:s12+$0x50] =	vst v0;
	v0 =	vld [tilespmem:s12+$0x70]  }
0xab: {  	v1 =	vld.idx.msk [tilespmem:v2+s6+$0x0], $0xffff  }
.Ltmp2:
0xac: {  	(pc) =	sbr.rel @p5 .LBB2_5-.Ltmp2, $2  }
0xad: {  	_ =	sdelay $0x2  }
0xae: {  	s12 =	sadd.s32 $0x100, s12  }
0xaf: {  	_ =	sdelay $0x2  }
0xb0: {  	[tilespmem:s5+$0x60] =	vst v1  }
0xb1: {  	v0 =	vld.idx.msk [tilespmem:v0+s6+$0x0], $0xffff;
	_ =	sdelay $0x4  }
0xb2: {  	[tilespmem:s5+$0x70] =	vst v0  }
0xb3: {  	[tilespmem:s6], [sflag:$0x1] =	stream.strided.gather [hbm4b:s14+s29], $0x18700, s30, s29, $0x38;
	[tilespmem:$0x1E900] =	vst v63  }
0xb4: {  	_ = 	snop  }
0xb5: {  	[hbm4b:s17+s29] =	stream.strided.scatter [tilespmem:s31], [sflag:$0x3], $0x4000, s30, s29, $0x38;
	[tilespmem:$0x1E900] =	vst v63  }
0xb6: {  	_ =	swait.ge [sflag:s2], $0x4000  }
0xb7: {  	[sflag:s2] =	ssyncset.done $0x0  }
0xb8: {  	[sflag:s2] =	ssyncadd.s32 $0xFFFFC000  }
0xb9: {  	[tilespmem:s31], [sflag:$0x2] =	stream.linear.gather [hbm4b:s7+s6], $0x4000, $0x38;
	[tilespmem:$0x1E900] =	vst v63  }
0xba: {  	_ =	swait.ge [sflag:s0], $0x4000  }
0xbb: {  	[sflag:s0] =	ssyncset.done $0x0  }
0xbc: {  	[sflag:s0] =	ssyncadd.s32 $0xFFFFC000  }
0xbd: {  	_ =	swait.ge [sflag:s4], $0x18700  }
0xbe: {  	[sflag:s4] =	ssyncset.done $0x0  }
0xbf: {  	s5 =	simm.s32 $0x18780;
	[sflag:s4] =	ssyncadd.s32 $0xFFFE7900  }
0xc0: {  	v0 =	vld [tilespmem:s5+$0xFFFFFF80];
	_ =	sdelay $0x5  }
0xc1: {  	v1 =	vld [tilespmem:s5+$0xFFFFFF90];
	_ =	sdelay $0x1  }
0xc2: {  	v0 =	vld.idx.msk [tilespmem:v0+s6+$0x0], $0xffff;
	_ =	sdelay $0x4  }
0xc3: {  	[tilespmem:s5+$0xFFFFFF80] =	vst v0;
	v0 =	vld [tilespmem:s5+$0xFFFFFFA0]  }
0xc4: {  	v1 =	vld.idx.msk [tilespmem:v1+s6+$0x0], $0xffff;
	_ =	sdelay $0x4  }
0xc5: {  	[tilespmem:s5+$0xFFFFFF90] =	vst v1;
	v1 =	vld [tilespmem:s5+$0xFFFFFFB0];
	_ =	sdelay $0x1  }
0xc6: {  	v0 =	vld.idx.msk [tilespmem:v0+s6+$0x0], $0xffff;
	_ =	sdelay $0x4  }
0xc7: {  	[tilespmem:s5+$0xFFFFFFA0] =	vst v0;
	v0 =	vld [tilespmem:s5+$0xFFFFFFC0]  }
0xc8: {  	v1 =	vld.idx.msk [tilespmem:v1+s6+$0x0], $0xffff;
	_ =	sdelay $0x4  }
0xc9: {  	[tilespmem:s5+$0xFFFFFFB0] =	vst v1;
	v1 =	vld [tilespmem:s5+$0xFFFFFFD0];
	_ =	sdelay $0x1  }
0xca: {  	v0 =	vld.idx.msk [tilespmem:v0+s6+$0x0], $0xffff;
	_ =	sdelay $0x4  }
0xcb: {  	[tilespmem:s5+$0xFFFFFFC0] =	vst v0;
	v0 =	vld [tilespmem:s5+$0xFFFFFFE0]  }
0xcc: {  	v1 =	vld.idx.msk [tilespmem:v1+s6+$0x0], $0xffff;
	_ =	sdelay $0x4  }
0xcd: {  	[tilespmem:s5+$0xFFFFFFD0] =	vst v1;
	v1 =	vld [tilespmem:s5+$0xFFFFFFF0];
	_ =	sdelay $0x1  }
0xce: {  	v0 =	vld.idx.msk [tilespmem:v0+s6+$0x0], $0xffff;
	_ =	sdelay $0x4  }
0xcf: {  	[tilespmem:s5+$0xFFFFFFE0] =	vst v0;
	v0 =	vld [tilespmem:s5+$0x0]  }
0xd0: {  	v1 =	vld.idx.msk [tilespmem:v1+s6+$0x0], $0xffff;
	_ =	sdelay $0x4  }
0xd1: {  	[tilespmem:s5+$0xFFFFFFF0] =	vst v1;
	v1 =	vld [tilespmem:s5+$0x10];
	_ =	sdelay $0x1  }
0xd2: {  	v0 =	vld.idx.msk [tilespmem:v0+s6+$0x0], $0xffff;
	_ =	sdelay $0x4  }
0xd3: {  	[tilespmem:s5+$0x0] =	vst v0;
	v0 =	vld [tilespmem:s5+$0x20]  }
0xd4: {  	v1 =	vld.idx.msk [tilespmem:v1+s6+$0x0], $0xffff;
	_ =	sdelay $0x4  }
0xd5: {  	[tilespmem:s5+$0x10] =	vst v1;
	v1 =	vld [tilespmem:s5+$0x30];
	_ =	sdelay $0x1  }
0xd6: {  	v0 =	vld.idx.msk [tilespmem:v0+s6+$0x0], $0xffff;
	_ =	sdelay $0x4  }
0xd7: {  	[tilespmem:s5+$0x20] =	vst v0;
	v0 =	vld [tilespmem:s5+$0x40]  }
0xd8: {  	v1 =	vld.idx.msk [tilespmem:v1+s6+$0x0], $0xffff;
	_ =	sdelay $0x4  }
0xd9: {  	[tilespmem:s5+$0x30] =	vst v1;
	v1 =	vld [tilespmem:s5+$0x50];
	_ =	sdelay $0x1  }
0xda: {  	v0 =	vld.idx.msk [tilespmem:v0+s6+$0x0], $0xffff;
	_ =	sdelay $0x4  }
0xdb: {  	v2 =	vld [tilespmem:s5+$0x60];
	[tilespmem:s5+$0x40] =	vst v0  }
0xdc: {  	v0 =	vld.idx.msk [tilespmem:v1+s6+$0x0], $0xffff;
	_ =	sdelay $0x4  }
0xdd: {  	[tilespmem:s5+$0x50] =	vst v0;
	v0 =	vld [tilespmem:s5+$0x70];
	_ =	sdelay $0x1  }
0xde: {  	v1 =	vld.idx.msk [tilespmem:v2+s6+$0x0], $0xffff;
	_ =	sdelay $0x3  }
0xdf: {  	s26 =	simm.s32 $0x0;
	s12 =	simm.s32 $0x18880  }
.LBB2_7:
0xe0: {  	v2 =	vld [tilespmem:s12+$0xFFFFFF80];
	s26 =	sadd.s32 $0x10, s26;
	[tilespmem:s5+$0x60] =	vst v1  }
0xe1: {  	p5 =	slt.u32 s26, $0x3F0;
	v0 =	vld.idx.msk [tilespmem:v0+s6+$0x0], $0xffff;
	_ =	sdelay $0x5  }
0xe2: {  	v1 =	vld [tilespmem:s12+$0xFFFFFF90];
	[tilespmem:s5+$0x70] =	vst v0;
	s5 =	smov.u32 s12  }
0xe3: {  	v0 =	vld.idx.msk [tilespmem:v2+s6+$0x0], $0xffff;
	_ =	sdelay $0x5  }
0xe4: {  	[tilespmem:s12+$0xFFFFFF80] =	vst v0;
	v0 =	vld [tilespmem:s12+$0xFFFFFFA0]  }
0xe5: {  	v1 =	vld.idx.msk [tilespmem:v1+s6+$0x0], $0xffff;
	_ =	sdelay $0x5  }
0xe6: {  	[tilespmem:s12+$0xFFFFFF90] =	vst v1;
	v1 =	vld [tilespmem:s12+$0xFFFFFFB0]  }
0xe7: {  	v0 =	vld.idx.msk [tilespmem:v0+s6+$0x0], $0xffff;
	_ =	sdelay $0x5  }
0xe8: {  	[tilespmem:s12+$0xFFFFFFA0] =	vst v0;
	v0 =	vld [tilespmem:s12+$0xFFFFFFC0]  }
0xe9: {  	v1 =	vld.idx.msk [tilespmem:v1+s6+$0x0], $0xffff;
	_ =	sdelay $0x5  }
0xea: {  	[tilespmem:s12+$0xFFFFFFB0] =	vst v1;
	v1 =	vld [tilespmem:s12+$0xFFFFFFD0]  }
0xeb: {  	v0 =	vld.idx.msk [tilespmem:v0+s6+$0x0], $0xffff;
	_ =	sdelay $0x5  }
0xec: {  	[tilespmem:s12+$0xFFFFFFC0] =	vst v0;
	v0 =	vld [tilespmem:s12+$0xFFFFFFE0]  }
0xed: {  	v1 =	vld.idx.msk [tilespmem:v1+s6+$0x0], $0xffff;
	_ =	sdelay $0x5  }
0xee: {  	[tilespmem:s12+$0xFFFFFFD0] =	vst v1;
	v1 =	vld [tilespmem:s12+$0xFFFFFFF0]  }
0xef: {  	v0 =	vld.idx.msk [tilespmem:v0+s6+$0x0], $0xffff;
	_ =	sdelay $0x5  }
0xf0: {  	[tilespmem:s12+$0xFFFFFFE0] =	vst v0;
	v0 =	vld [tilespmem:s12+$0x0]  }
0xf1: {  	v1 =	vld.idx.msk [tilespmem:v1+s6+$0x0], $0xffff;
	_ =	sdelay $0x5  }
0xf2: {  	[tilespmem:s12+$0xFFFFFFF0] =	vst v1;
	v1 =	vld [tilespmem:s12+$0x10]  }
0xf3: {  	v0 =	vld.idx.msk [tilespmem:v0+s6+$0x0], $0xffff;
	_ =	sdelay $0x5  }
0xf4: {  	[tilespmem:s12+$0x0] =	vst v0;
	v0 =	vld [tilespmem:s12+$0x20]  }
0xf5: {  	v1 =	vld.idx.msk [tilespmem:v1+s6+$0x0], $0xffff;
	_ =	sdelay $0x5  }
0xf6: {  	[tilespmem:s12+$0x10] =	vst v1;
	v1 =	vld [tilespmem:s12+$0x30]  }
0xf7: {  	v0 =	vld.idx.msk [tilespmem:v0+s6+$0x0], $0xffff;
	_ =	sdelay $0x5  }
0xf8: {  	[tilespmem:s12+$0x20] =	vst v0;
	v0 =	vld [tilespmem:s12+$0x40]  }
0xf9: {  	v1 =	vld.idx.msk [tilespmem:v1+s6+$0x0], $0xffff;
	_ =	sdelay $0x5  }
0xfa: {  	[tilespmem:s12+$0x30] =	vst v1;
	v1 =	vld [tilespmem:s12+$0x50]  }
0xfb: {  	v0 =	vld.idx.msk [tilespmem:v0+s6+$0x0], $0xffff;
	_ =	sdelay $0x5  }
0xfc: {  	[tilespmem:s12+$0x40] =	vst v0;
	v2 =	vld [tilespmem:s12+$0x60]  }
0xfd: {  	v0 =	vld.idx.msk [tilespmem:v1+s6+$0x0], $0xffff;
	_ =	sdelay $0x5  }
0xfe: {  	[tilespmem:s12+$0x50] =	vst v0;
	v0 =	vld [tilespmem:s12+$0x70]  }
0xff: {  	v1 =	vld.idx.msk [tilespmem:v2+s6+$0x0], $0xffff  }
.Ltmp3:
0x100: {  	(pc) =	sbr.rel @p5 .LBB2_7-.Ltmp3, $2  }
0x101: {  	_ =	sdelay $0x2  }
0x102: {  	s12 =	sadd.s32 $0x100, s12  }
0x103: {  	_ =	sdelay $0x2  }
0x104: {  	[tilespmem:s5+$0x60] =	vst v1  }
0x105: {  	v0 =	vld.idx.msk [tilespmem:v0+s6+$0x0], $0xffff;
	_ =	sdelay $0x4  }
0x106: {  	[tilespmem:s5+$0x70] =	vst v0  }
0x107: {  	[tilespmem:s6], [sflag:$0x1] =	stream.strided.gather [hbm4b:s15+s29], $0x18700, s30, s29, $0x38;
	[tilespmem:$0x1E900] =	vst v63  }
0x108: {  	_ = 	snop  }
0x109: {  	[hbm4b:s18+s29] =	stream.strided.scatter [tilespmem:s31], [sflag:$0x3], $0x4000, s30, s29, $0x38;
	[tilespmem:$0x1E900] =	vst v63  }
0x10a: {  	_ =	swait.ge [sflag:s2], $0x4000  }
0x10b: {  	[sflag:s2] =	ssyncset.done $0x0  }
0x10c: {  	[sflag:s2] =	ssyncadd.s32 $0xFFFFC000  }
0x10d: {  	[tilespmem:s31], [sflag:$0x2] =	stream.linear.gather [hbm4b:s8+s6], $0x4000, $0x38;
	[tilespmem:$0x1E900] =	vst v63  }
0x10e: {  	_ =	swait.ge [sflag:s0], $0x4000  }
0x10f: {  	[sflag:s0] =	ssyncset.done $0x0  }
0x110: {  	[sflag:s0] =	ssyncadd.s32 $0xFFFFC000  }
0x111: {  	_ =	swait.ge [sflag:s4], $0x18700  }
0x112: {  	[sflag:s4] =	ssyncset.done $0x0  }
0x113: {  	s5 =	simm.s32 $0x18780;
	[sflag:s4] =	ssyncadd.s32 $0xFFFE7900  }
0x114: {  	v0 =	vld [tilespmem:s5+$0xFFFFFF80];
	_ =	sdelay $0x5  }
0x115: {  	v1 =	vld [tilespmem:s5+$0xFFFFFF90];
	_ =	sdelay $0x1  }
0x116: {  	v0 =	vld.idx.msk [tilespmem:v0+s6+$0x0], $0xffff;
	_ =	sdelay $0x4  }
0x117: {  	[tilespmem:s5+$0xFFFFFF80] =	vst v0;
	v0 =	vld [tilespmem:s5+$0xFFFFFFA0]  }
0x118: {  	v1 =	vld.idx.msk [tilespmem:v1+s6+$0x0], $0xffff;
	_ =	sdelay $0x4  }
0x119: {  	[tilespmem:s5+$0xFFFFFF90] =	vst v1;
	v1 =	vld [tilespmem:s5+$0xFFFFFFB0];
	_ =	sdelay $0x1  }
0x11a: {  	v0 =	vld.idx.msk [tilespmem:v0+s6+$0x0], $0xffff;
	_ =	sdelay $0x4  }
0x11b: {  	[tilespmem:s5+$0xFFFFFFA0] =	vst v0;
	v0 =	vld [tilespmem:s5+$0xFFFFFFC0]  }
0x11c: {  	v1 =	vld.idx.msk [tilespmem:v1+s6+$0x0], $0xffff;
	_ =	sdelay $0x4  }
0x11d: {  	[tilespmem:s5+$0xFFFFFFB0] =	vst v1;
	v1 =	vld [tilespmem:s5+$0xFFFFFFD0];
	_ =	sdelay $0x1  }
0x11e: {  	v0 =	vld.idx.msk [tilespmem:v0+s6+$0x0], $0xffff;
	_ =	sdelay $0x4  }
0x11f: {  	[tilespmem:s5+$0xFFFFFFC0] =	vst v0;
	v0 =	vld [tilespmem:s5+$0xFFFFFFE0]  }
0x120: {  	v1 =	vld.idx.msk [tilespmem:v1+s6+$0x0], $0xffff;
	_ =	sdelay $0x4  }
0x121: {  	[tilespmem:s5+$0xFFFFFFD0] =	vst v1;
	v1 =	vld [tilespmem:s5+$0xFFFFFFF0];
	_ =	sdelay $0x1  }
0x122: {  	v0 =	vld.idx.msk [tilespmem:v0+s6+$0x0], $0xffff;
	_ =	sdelay $0x4  }
0x123: {  	[tilespmem:s5+$0xFFFFFFE0] =	vst v0;
	v0 =	vld [tilespmem:s5+$0x0]  }
0x124: {  	v1 =	vld.idx.msk [tilespmem:v1+s6+$0x0], $0xffff;
	_ =	sdelay $0x4  }
0x125: {  	[tilespmem:s5+$0xFFFFFFF0] =	vst v1;
	v1 =	vld [tilespmem:s5+$0x10];
	_ =	sdelay $0x1  }
0x126: {  	v0 =	vld.idx.msk [tilespmem:v0+s6+$0x0], $0xffff;
	_ =	sdelay $0x4  }
0x127: {  	[tilespmem:s5+$0x0] =	vst v0;
	v0 =	vld [tilespmem:s5+$0x20]  }
0x128: {  	v1 =	vld.idx.msk [tilespmem:v1+s6+$0x0], $0xffff;
	_ =	sdelay $0x4  }
0x129: {  	[tilespmem:s5+$0x10] =	vst v1;
	v1 =	vld [tilespmem:s5+$0x30];
	_ =	sdelay $0x1  }
0x12a: {  	v0 =	vld.idx.msk [tilespmem:v0+s6+$0x0], $0xffff;
	_ =	sdelay $0x4  }
0x12b: {  	[tilespmem:s5+$0x20] =	vst v0;
	v0 =	vld [tilespmem:s5+$0x40]  }
0x12c: {  	v1 =	vld.idx.msk [tilespmem:v1+s6+$0x0], $0xffff;
	_ =	sdelay $0x4  }
0x12d: {  	[tilespmem:s5+$0x30] =	vst v1;
	v1 =	vld [tilespmem:s5+$0x50];
	_ =	sdelay $0x1  }
0x12e: {  	v0 =	vld.idx.msk [tilespmem:v0+s6+$0x0], $0xffff;
	_ =	sdelay $0x4  }
0x12f: {  	v2 =	vld [tilespmem:s5+$0x60];
	[tilespmem:s5+$0x40] =	vst v0  }
0x130: {  	v0 =	vld.idx.msk [tilespmem:v1+s6+$0x0], $0xffff;
	_ =	sdelay $0x4  }
0x131: {  	[tilespmem:s5+$0x50] =	vst v0;
	v0 =	vld [tilespmem:s5+$0x70];
	_ =	sdelay $0x1  }
0x132: {  	v1 =	vld.idx.msk [tilespmem:v2+s6+$0x0], $0xffff;
	_ =	sdelay $0x3  }
0x133: {  	s26 =	simm.s32 $0x0;
	s12 =	simm.s32 $0x18880  }
.LBB2_9:
0x134: {  	v2 =	vld [tilespmem:s12+$0xFFFFFF80];
	s26 =	sadd.s32 $0x10, s26;
	[tilespmem:s5+$0x60] =	vst v1  }
0x135: {  	p5 =	slt.u32 s26, $0x3F0;
	v0 =	vld.idx.msk [tilespmem:v0+s6+$0x0], $0xffff;
	_ =	sdelay $0x5  }
0x136: {  	v1 =	vld [tilespmem:s12+$0xFFFFFF90];
	[tilespmem:s5+$0x70] =	vst v0;
	s5 =	smov.u32 s12  }
0x137: {  	v0 =	vld.idx.msk [tilespmem:v2+s6+$0x0], $0xffff;
	_ =	sdelay $0x5  }
0x138: {  	[tilespmem:s12+$0xFFFFFF80] =	vst v0;
	v0 =	vld [tilespmem:s12+$0xFFFFFFA0]  }
0x139: {  	v1 =	vld.idx.msk [tilespmem:v1+s6+$0x0], $0xffff;
	_ =	sdelay $0x5  }
0x13a: {  	[tilespmem:s12+$0xFFFFFF90] =	vst v1;
	v1 =	vld [tilespmem:s12+$0xFFFFFFB0]  }
0x13b: {  	v0 =	vld.idx.msk [tilespmem:v0+s6+$0x0], $0xffff;
	_ =	sdelay $0x5  }
0x13c: {  	[tilespmem:s12+$0xFFFFFFA0] =	vst v0;
	v0 =	vld [tilespmem:s12+$0xFFFFFFC0]  }
0x13d: {  	v1 =	vld.idx.msk [tilespmem:v1+s6+$0x0], $0xffff;
	_ =	sdelay $0x5  }
0x13e: {  	[tilespmem:s12+$0xFFFFFFB0] =	vst v1;
	v1 =	vld [tilespmem:s12+$0xFFFFFFD0]  }
0x13f: {  	v0 =	vld.idx.msk [tilespmem:v0+s6+$0x0], $0xffff;
	_ =	sdelay $0x5  }
0x140: {  	[tilespmem:s12+$0xFFFFFFC0] =	vst v0;
	v0 =	vld [tilespmem:s12+$0xFFFFFFE0]  }
0x141: {  	v1 =	vld.idx.msk [tilespmem:v1+s6+$0x0], $0xffff;
	_ =	sdelay $0x5  }
0x142: {  	[tilespmem:s12+$0xFFFFFFD0] =	vst v1;
	v1 =	vld [tilespmem:s12+$0xFFFFFFF0]  }
0x143: {  	v0 =	vld.idx.msk [tilespmem:v0+s6+$0x0], $0xffff;
	_ =	sdelay $0x5  }
0x144: {  	[tilespmem:s12+$0xFFFFFFE0] =	vst v0;
	v0 =	vld [tilespmem:s12+$0x0]  }
0x145: {  	v1 =	vld.idx.msk [tilespmem:v1+s6+$0x0], $0xffff;
	_ =	sdelay $0x5  }
0x146: {  	[tilespmem:s12+$0xFFFFFFF0] =	vst v1;
	v1 =	vld [tilespmem:s12+$0x10]  }
0x147: {  	v0 =	vld.idx.msk [tilespmem:v0+s6+$0x0], $0xffff;
	_ =	sdelay $0x5  }
0x148: {  	[tilespmem:s12+$0x0] =	vst v0;
	v0 =	vld [tilespmem:s12+$0x20]  }
0x149: {  	v1 =	vld.idx.msk [tilespmem:v1+s6+$0x0], $0xffff;
	_ =	sdelay $0x5  }
0x14a: {  	[tilespmem:s12+$0x10] =	vst v1;
	v1 =	vld [tilespmem:s12+$0x30]  }
0x14b: {  	v0 =	vld.idx.msk [tilespmem:v0+s6+$0x0], $0xffff;
	_ =	sdelay $0x5  }
0x14c: {  	[tilespmem:s12+$0x20] =	vst v0;
	v0 =	vld [tilespmem:s12+$0x40]  }
0x14d: {  	v1 =	vld.idx.msk [tilespmem:v1+s6+$0x0], $0xffff;
	_ =	sdelay $0x5  }
0x14e: {  	[tilespmem:s12+$0x30] =	vst v1;
	v1 =	vld [tilespmem:s12+$0x50]  }
0x14f: {  	v0 =	vld.idx.msk [tilespmem:v0+s6+$0x0], $0xffff;
	_ =	sdelay $0x5  }
0x150: {  	[tilespmem:s12+$0x40] =	vst v0;
	v2 =	vld [tilespmem:s12+$0x60]  }
0x151: {  	v0 =	vld.idx.msk [tilespmem:v1+s6+$0x0], $0xffff;
	_ =	sdelay $0x5  }
0x152: {  	[tilespmem:s12+$0x50] =	vst v0;
	v0 =	vld [tilespmem:s12+$0x70]  }
0x153: {  	v1 =	vld.idx.msk [tilespmem:v2+s6+$0x0], $0xffff  }
.Ltmp4:
0x154: {  	(pc) =	sbr.rel @p5 .LBB2_9-.Ltmp4, $2  }
0x155: {  	_ =	sdelay $0x2  }
0x156: {  	s12 =	sadd.s32 $0x100, s12  }
0x157: {  	_ =	sdelay $0x2  }
0x158: {  	[tilespmem:s5+$0x60] =	vst v1  }
0x159: {  	v0 =	vld.idx.msk [tilespmem:v0+s6+$0x0], $0xffff;
	_ =	sdelay $0x4  }
0x15a: {  	[tilespmem:s5+$0x70] =	vst v0  }
0x15b: {  	v0 =	vld [tilespmem:$0x1E700];
	_ =	sdelay $0x5  }
0x15c: {  	v1 =	vld [tilespmem:$0x1E710];
	_ =	sdelay $0x1  }
0x15d: {  	v0 =	vld.idx.msk [tilespmem:v0+s6+$0x0], $0xffff;
	_ =	sdelay $0x3  }
0x15e: {  	v2 =	vld [tilespmem:$0x1E720]  }
0x15f: {  	[tilespmem:$0x1E780] =	vst v0  }
0x160: {  	v0 =	vld.idx.msk [tilespmem:v1+s6+$0x0], $0xffff;
	_ =	sdelay $0x3  }
0x161: {  	v1 =	vld [tilespmem:$0x1E730]  }
0x162: {  	[tilespmem:$0x1E790] =	vst v0  }
0x163: {  	v0 =	vld.idx.msk [tilespmem:v2+s6+$0x0], $0xffff;
	_ =	sdelay $0x4  }
0x164: {  	[tilespmem:$0x1E7A0] =	vst v0  }
0x165: {  	v0 =	vld.idx.msk [tilespmem:v1+s6+$0x0], $0xffff;
	_ =	sdelay $0x4  }
0x166: {  	[tilespmem:$0x1E7B0] =	vst v0  }
0x167: {  	[tilespmem:s6], [sflag:$0x1] =	stream.strided.gather [hbm4b:s16+s29], $0x18700, s30, s29, $0x38;
	[tilespmem:$0x1E900] =	vst v63  }
0x168: {  	_ = 	snop  }
0x169: {  	[hbm4b:s19+s29] =	stream.strided.scatter [tilespmem:s31], [sflag:$0x3], $0x4000, s30, s29, $0x38;
	[tilespmem:$0x1E900] =	vst v63  }
0x16a: {  	_ =	swait.ge [sflag:s2], $0x4000  }
0x16b: {  	[sflag:s2] =	ssyncset.done $0x0  }
0x16c: {  	[sflag:s2] =	ssyncadd.s32 $0xFFFFC000  }
0x16d: {  	[tilespmem:s31], [sflag:$0x2] =	stream.linear.gather [hbm4b:s8+s6], $0x4000, $0x38;
	[tilespmem:$0x1E900] =	vst v63  }
0x16e: {  	_ =	swait.ge [sflag:s0], $0x4000  }
0x16f: {  	[sflag:s0] =	ssyncset.done $0x0  }
0x170: {  	[sflag:s0] =	ssyncadd.s32 $0xFFFFC000  }
0x171: {  	_ =	swait.ge [sflag:s4], $0x18700  }
0x172: {  	[sflag:s4] =	ssyncset.done $0x0  }
0x173: {  	s5 =	simm.s32 $0x18780;
	[sflag:s4] =	ssyncadd.s32 $0xFFFE7900  }
0x174: {  	v0 =	vld [tilespmem:s5+$0xFFFFFF80];
	_ =	sdelay $0x5  }
0x175: {  	v1 =	vld [tilespmem:s5+$0xFFFFFF90];
	_ =	sdelay $0x1  }
0x176: {  	v0 =	vld.idx.msk [tilespmem:v0+s6+$0x0], $0xffff;
	_ =	sdelay $0x4  }
0x177: {  	[tilespmem:s5+$0xFFFFFF80] =	vst v0;
	v0 =	vld [tilespmem:s5+$0xFFFFFFA0]  }
0x178: {  	v1 =	vld.idx.msk [tilespmem:v1+s6+$0x0], $0xffff;
	_ =	sdelay $0x4  }
0x179: {  	[tilespmem:s5+$0xFFFFFF90] =	vst v1;
	v1 =	vld [tilespmem:s5+$0xFFFFFFB0];
	_ =	sdelay $0x1  }
0x17a: {  	v0 =	vld.idx.msk [tilespmem:v0+s6+$0x0], $0xffff;
	_ =	sdelay $0x4  }
0x17b: {  	[tilespmem:s5+$0xFFFFFFA0] =	vst v0;
	v0 =	vld [tilespmem:s5+$0xFFFFFFC0]  }
0x17c: {  	v1 =	vld.idx.msk [tilespmem:v1+s6+$0x0], $0xffff;
	_ =	sdelay $0x4  }
0x17d: {  	[tilespmem:s5+$0xFFFFFFB0] =	vst v1;
	v1 =	vld [tilespmem:s5+$0xFFFFFFD0];
	_ =	sdelay $0x1  }
0x17e: {  	v0 =	vld.idx.msk [tilespmem:v0+s6+$0x0], $0xffff;
	_ =	sdelay $0x4  }
0x17f: {  	[tilespmem:s5+$0xFFFFFFC0] =	vst v0;
	v0 =	vld [tilespmem:s5+$0xFFFFFFE0]  }
0x180: {  	v1 =	vld.idx.msk [tilespmem:v1+s6+$0x0], $0xffff;
	_ =	sdelay $0x4  }
0x181: {  	[tilespmem:s5+$0xFFFFFFD0] =	vst v1;
	v1 =	vld [tilespmem:s5+$0xFFFFFFF0];
	_ =	sdelay $0x1  }
0x182: {  	v0 =	vld.idx.msk [tilespmem:v0+s6+$0x0], $0xffff;
	_ =	sdelay $0x4  }
0x183: {  	[tilespmem:s5+$0xFFFFFFE0] =	vst v0;
	v0 =	vld [tilespmem:s5+$0x0]  }
0x184: {  	v1 =	vld.idx.msk [tilespmem:v1+s6+$0x0], $0xffff;
	_ =	sdelay $0x4  }
0x185: {  	[tilespmem:s5+$0xFFFFFFF0] =	vst v1;
	v1 =	vld [tilespmem:s5+$0x10];
	_ =	sdelay $0x1  }
0x186: {  	v0 =	vld.idx.msk [tilespmem:v0+s6+$0x0], $0xffff;
	_ =	sdelay $0x4  }
0x187: {  	[tilespmem:s5+$0x0] =	vst v0;
	v0 =	vld [tilespmem:s5+$0x20]  }
0x188: {  	v1 =	vld.idx.msk [tilespmem:v1+s6+$0x0], $0xffff;
	_ =	sdelay $0x4  }
0x189: {  	[tilespmem:s5+$0x10] =	vst v1;
	v1 =	vld [tilespmem:s5+$0x30];
	_ =	sdelay $0x1  }
0x18a: {  	v0 =	vld.idx.msk [tilespmem:v0+s6+$0x0], $0xffff;
	_ =	sdelay $0x4  }
0x18b: {  	[tilespmem:s5+$0x20] =	vst v0;
	v0 =	vld [tilespmem:s5+$0x40]  }
0x18c: {  	v1 =	vld.idx.msk [tilespmem:v1+s6+$0x0], $0xffff;
	_ =	sdelay $0x4  }
0x18d: {  	[tilespmem:s5+$0x30] =	vst v1;
	v1 =	vld [tilespmem:s5+$0x50];
	_ =	sdelay $0x1  }
0x18e: {  	v0 =	vld.idx.msk [tilespmem:v0+s6+$0x0], $0xffff;
	_ =	sdelay $0x4  }
0x18f: {  	v2 =	vld [tilespmem:s5+$0x60];
	[tilespmem:s5+$0x40] =	vst v0  }
0x190: {  	v0 =	vld.idx.msk [tilespmem:v1+s6+$0x0], $0xffff;
	_ =	sdelay $0x4  }
0x191: {  	[tilespmem:s5+$0x50] =	vst v0;
	v0 =	vld [tilespmem:s5+$0x70];
	_ =	sdelay $0x1  }
0x192: {  	v1 =	vld.idx.msk [tilespmem:v2+s6+$0x0], $0xffff;
	_ =	sdelay $0x3  }
0x193: {  	s26 =	simm.s32 $0x0;
	s12 =	simm.s32 $0x18880  }
.LBB2_11:
0x194: {  	v2 =	vld [tilespmem:s12+$0xFFFFFF80];
	s26 =	sadd.s32 $0x10, s26;
	[tilespmem:s5+$0x60] =	vst v1  }
0x195: {  	p5 =	slt.u32 s26, $0x3F0;
	v0 =	vld.idx.msk [tilespmem:v0+s6+$0x0], $0xffff;
	_ =	sdelay $0x5  }
0x196: {  	v1 =	vld [tilespmem:s12+$0xFFFFFF90];
	[tilespmem:s5+$0x70] =	vst v0;
	s5 =	smov.u32 s12  }
0x197: {  	v0 =	vld.idx.msk [tilespmem:v2+s6+$0x0], $0xffff;
	_ =	sdelay $0x5  }
0x198: {  	[tilespmem:s12+$0xFFFFFF80] =	vst v0;
	v0 =	vld [tilespmem:s12+$0xFFFFFFA0]  }
0x199: {  	v1 =	vld.idx.msk [tilespmem:v1+s6+$0x0], $0xffff;
	_ =	sdelay $0x5  }
0x19a: {  	[tilespmem:s12+$0xFFFFFF90] =	vst v1;
	v1 =	vld [tilespmem:s12+$0xFFFFFFB0]  }
0x19b: {  	v0 =	vld.idx.msk [tilespmem:v0+s6+$0x0], $0xffff;
	_ =	sdelay $0x5  }
0x19c: {  	[tilespmem:s12+$0xFFFFFFA0] =	vst v0;
	v0 =	vld [tilespmem:s12+$0xFFFFFFC0]  }
0x19d: {  	v1 =	vld.idx.msk [tilespmem:v1+s6+$0x0], $0xffff;
	_ =	sdelay $0x5  }
0x19e: {  	[tilespmem:s12+$0xFFFFFFB0] =	vst v1;
	v1 =	vld [tilespmem:s12+$0xFFFFFFD0]  }
0x19f: {  	v0 =	vld.idx.msk [tilespmem:v0+s6+$0x0], $0xffff;
	_ =	sdelay $0x5  }
0x1a0: {  	[tilespmem:s12+$0xFFFFFFC0] =	vst v0;
	v0 =	vld [tilespmem:s12+$0xFFFFFFE0]  }
0x1a1: {  	v1 =	vld.idx.msk [tilespmem:v1+s6+$0x0], $0xffff;
	_ =	sdelay $0x5  }
0x1a2: {  	[tilespmem:s12+$0xFFFFFFD0] =	vst v1;
	v1 =	vld [tilespmem:s12+$0xFFFFFFF0]  }
0x1a3: {  	v0 =	vld.idx.msk [tilespmem:v0+s6+$0x0], $0xffff;
	_ =	sdelay $0x5  }
0x1a4: {  	[tilespmem:s12+$0xFFFFFFE0] =	vst v0;
	v0 =	vld [tilespmem:s12+$0x0]  }
0x1a5: {  	v1 =	vld.idx.msk [tilespmem:v1+s6+$0x0], $0xffff;
	_ =	sdelay $0x5  }
0x1a6: {  	[tilespmem:s12+$0xFFFFFFF0] =	vst v1;
	v1 =	vld [tilespmem:s12+$0x10]  }
0x1a7: {  	v0 =	vld.idx.msk [tilespmem:v0+s6+$0x0], $0xffff;
	_ =	sdelay $0x5  }
0x1a8: {  	[tilespmem:s12+$0x0] =	vst v0;
	v0 =	vld [tilespmem:s12+$0x20]  }
0x1a9: {  	v1 =	vld.idx.msk [tilespmem:v1+s6+$0x0], $0xffff;
	_ =	sdelay $0x5  }
0x1aa: {  	[tilespmem:s12+$0x10] =	vst v1;
	v1 =	vld [tilespmem:s12+$0x30]  }
0x1ab: {  	v0 =	vld.idx.msk [tilespmem:v0+s6+$0x0], $0xffff;
	_ =	sdelay $0x5  }
0x1ac: {  	[tilespmem:s12+$0x20] =	vst v0;
	v0 =	vld [tilespmem:s12+$0x40]  }
0x1ad: {  	v1 =	vld.idx.msk [tilespmem:v1+s6+$0x0], $0xffff;
	_ =	sdelay $0x5  }
0x1ae: {  	[tilespmem:s12+$0x30] =	vst v1;
	v1 =	vld [tilespmem:s12+$0x50]  }
0x1af: {  	v0 =	vld.idx.msk [tilespmem:v0+s6+$0x0], $0xffff;
	_ =	sdelay $0x5  }
0x1b0: {  	[tilespmem:s12+$0x40] =	vst v0;
	v2 =	vld [tilespmem:s12+$0x60]  }
0x1b1: {  	v0 =	vld.idx.msk [tilespmem:v1+s6+$0x0], $0xffff;
	_ =	sdelay $0x5  }
0x1b2: {  	[tilespmem:s12+$0x50] =	vst v0;
	v0 =	vld [tilespmem:s12+$0x70]  }
0x1b3: {  	v1 =	vld.idx.msk [tilespmem:v2+s6+$0x0], $0xffff  }
.Ltmp5:
0x1b4: {  	(pc) =	sbr.rel @p5 .LBB2_11-.Ltmp5, $2  }
0x1b5: {  	_ =	sdelay $0x2  }
0x1b6: {  	s12 =	sadd.s32 $0x100, s12  }
0x1b7: {  	_ =	sdelay $0x2  }
0x1b8: {  	[tilespmem:s5+$0x60] =	vst v1  }
0x1b9: {  	v0 =	vld.idx.msk [tilespmem:v0+s6+$0x0], $0xffff;
	_ =	sdelay $0x4  }
0x1ba: {  	[tilespmem:s5+$0x70] =	vst v0  }
0x1bb: {  	v0 =	vld [tilespmem:$0x1E700];
	_ =	sdelay $0x5  }
0x1bc: {  	v1 =	vld [tilespmem:$0x1E710];
	_ =	sdelay $0x1  }
0x1bd: {  	v0 =	vld.idx.msk [tilespmem:v0+s6+$0x0], $0xffff;
	_ =	sdelay $0x3  }
0x1be: {  	v2 =	vld [tilespmem:$0x1E720]  }
0x1bf: {  	[tilespmem:$0x1E800] =	vst v0  }
0x1c0: {  	v0 =	vld.idx.msk [tilespmem:v1+s6+$0x0], $0xffff;
	_ =	sdelay $0x3  }
0x1c1: {  	v63 =	vld [tilespmem:$0x1E730]  }
0x1c2: {  	[tilespmem:$0x1E810] =	vst v0  }
0x1c3: {  	v0 =	vld.idx.msk [tilespmem:v2+s6+$0x0], $0xffff;
	_ =	sdelay $0x4  }
0x1c4: {  	[tilespmem:$0x1E820] =	vst v0  }
0x1c5: {  	v0 =	vld.idx.msk [tilespmem:v63+s6+$0x0], $0xffff;
	_ =	sdelay $0x4  }
0x1c6: {  	[tilespmem:$0x1E830] =	vst v0  }
0x1c7: {  	[hbm4b:s20+s29] =	stream.strided.scatter [tilespmem:s31], [sflag:$0x3], $0x4000, s30, s29, $0x38;
	[tilespmem:$0x1E900] =	vst v63  }
0x1c8: {  	_ =	swait.ge [sflag:s2], $0x4000  }
0x1c9: {  	[sflag:s2] =	ssyncset.done $0x0  }
0x1ca: {  	s12 =	simm.s32 $0x1E780;
	[sflag:s2] =	ssyncadd.s32 $0xFFFFC000  }
0x1cb: {  	[hbm4b:s21+s6] =	stream.linear.scatter [tilespmem:s12], [sflag:$0x5], $0x100, $0x38;
	[tilespmem:$0x1E900] =	vst v63  }
0x1cc: {  	_ =	swait.ge [sflag:s28], $0x100  }
0x1cd: {  	s26 =	sld [smem:$0x7F7];
	_ =	sdelay $0x2  }
0x1ce: {  	[sflag:s28] =	ssyncset.done $0x0;
	p0 =	seq.s32 s26, $0x1  }
0x1cf: {  	[sflag:s28] =	ssyncadd.s32 $0xFFFFFF00;
	s5 =	simm.s32 @!p0 $0x4  }
0x1d0: {  	_ =	swait.ge @!p0 [sflag:s5], $0x40  }
0x1d1: {  	[sflag:s5] =	ssyncset.done @!p0 $0x0  }
0x1d2: {  	s12 =	simm.s32 @!p0 $0x1D700;
	[sflag:s5] =	ssyncadd.s32 @!p0 $0xFFFFFFC0;
	s5 =	simm.s32 @!p0 $0x0  }
0x1d3: {  	[hbm4b:s9+s5] =	stream.linear.scatter @!p0 [tilespmem:s12], [sflag:$0x5], $0x1000, $0x38;
	[tilespmem:$0x1E900] =	vst v63  }
0x1d4: {  	s5 =	simm.s32 @!p0 $0x5  }
0x1d5: {  	_ =	swait.ge @!p0 [sflag:s5], $0x1000  }
0x1d6: {  	[sflag:s5] =	ssyncset.done @!p0 $0x0  }
0x1d7: {  	[sflag:s5] =	ssyncadd.s32 @!p0 $0xFFFFF000;
	s5 =	simm.s32 @p1 $0x4  }
0x1d8: {  	_ =	swait.ge @p1 [sflag:s5], $0x40  }
0x1d9: {  	[sflag:s5] =	ssyncset.done @p1 $0x0  }
0x1da: {  	s12 =	simm.s32 @p1 $0x1D700;
	[sflag:s5] =	ssyncadd.s32 @p1 $0xFFFFFFC0;
	s5 =	simm.s32 @p1 $0x0  }
0x1db: {  	[hbm4b:s22+s5] =	stream.linear.scatter @p1 [tilespmem:s12], [sflag:$0x5], $0x1000, $0x38;
	[tilespmem:$0x1E900] =	vst v63  }
0x1dc: {  	s5 =	simm.s32 @p1 $0x5  }
0x1dd: {  	_ =	swait.ge @p1 [sflag:s5], $0x1000  }
0x1de: {  	[sflag:s5] =	ssyncset.done @p1 $0x0  }
0x1df: {  	[sflag:s5] =	ssyncadd.s32 @p1 $0xFFFFF000;
	s5 =	simm.s32 @p4 $0x4  }
0x1e0: {  	_ =	swait.ge @p4 [sflag:s5], $0x40  }
0x1e1: {  	[sflag:s5] =	ssyncset.done @p4 $0x0  }
0x1e2: {  	s12 =	simm.s32 @p4 $0x1D700;
	[sflag:s5] =	ssyncadd.s32 @p4 $0xFFFFFFC0;
	s5 =	simm.s32 @p4 $0x0  }
0x1e3: {  	[hbm4b:s23+s5] =	stream.linear.scatter @p4 [tilespmem:s12], [sflag:$0x5], $0x1000, $0x38;
	[tilespmem:$0x1E900] =	vst v63  }
0x1e4: {  	s5 =	simm.s32 @p4 $0x5  }
0x1e5: {  	_ =	swait.ge @p4 [sflag:s5], $0x1000  }
0x1e6: {  	[sflag:s5] =	ssyncset.done @p4 $0x0  }
0x1e7: {  	[sflag:s5] =	ssyncadd.s32 @p4 $0xFFFFF000;
	s5 =	simm.s32 @p6 $0x4  }
0x1e8: {  	_ =	swait.ge @p6 [sflag:s5], $0x40  }
0x1e9: {  	[sflag:s5] =	ssyncset.done @p6 $0x0  }
0x1ea: {  	s12 =	simm.s32 @p6 $0x1D700;
	[sflag:s5] =	ssyncadd.s32 @p6 $0xFFFFFFC0;
	s5 =	simm.s32 @p6 $0x0  }
0x1eb: {  	[hbm4b:s24+s5] =	stream.linear.scatter @p6 [tilespmem:s12], [sflag:$0x5], $0x1000, $0x38;
	[tilespmem:$0x1E900] =	vst v63  }
0x1ec: {  	s5 =	simm.s32 @p6 $0x5  }
0x1ed: {  	_ =	swait.ge @p6 [sflag:s5], $0x1000  }
0x1ee: {  	[sflag:s5] =	ssyncset.done @p6 $0x0  }
0x1ef: {  	[sflag:s5] =	ssyncadd.s32 @p6 $0xFFFFF000;
	s5 =	simm.s32 @p3 $0x4  }
0x1f0: {  	_ =	swait.ge @p3 [sflag:s5], $0x40  }
0x1f1: {  	s3 =	sadd.s32 $0x1, s3;
	[sflag:s5] =	ssyncset.done @p3 $0x0  }
0x1f2: {  	p0 =	sne.s32 s3, s25;
	[sflag:s5] =	ssyncadd.s32 @p3 $0xFFFFFFC0  }
0x1f3: {  	s12 =	simm.s32 @p3 $0x1E880;
	s5 =	simm.s32 @p3 $0x0;
	s26 =	rddreg [dreg:$0x7]  }
0x1f4: {  	[hbm4b:s26+s5] =	stream.linear.scatter @p3 [tilespmem:s12], [sflag:$0x5], $0x80, $0x38;
	[tilespmem:$0x1E900] =	vst v63  }
.Ltmp6:
0x1f5: {  	_ = 	snop;
	(pc) =	sbr.rel @p0 .LBB2_1-.Ltmp6, $4  }
0x1f6: {  	s5 =	simm.s32 @p3 $0x5  }
0x1f7: {  	_ =	swait.ge @p3 [sflag:s5], $0x80  }
0x1f8: {  	[sflag:s5] =	ssyncset.done @p3 $0x0  }
0x1f9: {  	[sflag:s5] =	ssyncadd.s32 @p3 $0xFFFFFF80  }
0x1fa: {  	_ =	sfence.sel $0x180000  }
0x1fb: {  	[bflag:$0x0] =	sbarrier.arrive $0xFFFF  }
0x1fc: {  	_ =	strace $0x90000047  }
0x1fd: {  	s0 =	stileid.u32;
	[bflag:$0x2] =	sbarrier.arrive $0xFFFF  }
0x1fe: {  	p0 =	sne.s32 s0, $0x0;
	s0 =	rddreg [dreg:$0x8]  }
0x1ff: {  	s0 =	sadd.s32 @!p0 $0x100000, s0  }
0x200: {  	[sflag:s0] =	ssyncadd.tile.s32 @!p0 $0x1;
	_ =	shalt  }
.Lfunc_end2:
_tile_overlayer_lowered:
.L_overlay_start_2:
0x201: {  	(tag) =	ssettag $0x2  }
0x202: {  	s0 =	rddreg [dreg:$0x0];
	s2 =	stileid.u32  }
0x203: {  	s1 =	rddreg [dreg:$0x1];
	p0 =	sne.s32 s2, $0x0  }
0x204: {  	s3 =	rddreg [dreg:$0x2];
	[bflag:$0x3] =	sbarrier.arrive $0xFFFF;
	s2 =	simm.s32 @!p0 $0x1C05  }
0x205: {  	[timem:s3], [sflag:s2] =	dma.local @!p0 [hbm:s0], s1  }
0x206: {  	s0 =	simm.s32 @!p0 $0x5  }
0x207: {  	_ =	swait.ge @!p0 [sflag:s0], s1  }
0x208: {  	s1 =	ssub.s32 @!p0 $0x0, s1;
	[sflag:s0] =	ssyncset.done @!p0 $0x0  }
0x209: {  	[sflag:s0] =	ssyncadd.s32 @!p0 s1  }
0x20a: {  	[bflag:$0x3] =	sbarrier.arrive $0xFFFF  }
0x20b: {  	_ =	shalt  }

</sc_bundles>
